<compile_context>
chip_gen: v7x
topology: tpu7x:2x2x1
jax: 0.10.2.dev20260603
libtpu: 0.0.44.dev20260713+nightly
codegen_flags: <defaults>
</compile_context>

<pallas_src>
import functools

import jax
import jax.numpy as jnp
from jax import lax
from jax.experimental import pallas as pl
from jax.experimental.pallas import tpu as pltpu
from jax.experimental.pallas import tpu_sc as plsc

B = 4096
S = 200
H = 128
C = 1000

NC = 2
NS = 16
NW = NC * NS
LANES = 16
HCH = H // LANES

CH = 1
TOK = CH * S
NBUF = 4

_mesh = plsc.VectorSubcoreMesh(core_axis_name="c", subcore_axis_name="s")


def _make_pool(nb, row_start):
    rows_per_tile = nb // NW
    n_chunk = rows_per_tile // CH

    @functools.partial(
        pl.kernel,
        mesh=_mesh,
        out_type=jax.ShapeDtypeStruct((nb, H), jnp.float32),
        scratch_types=(
            [pltpu.VMEM((CH, TOK), jnp.int32) for _ in range(NBUF)]
            + [pltpu.VMEM((TOK, H), jnp.float32) for _ in range(NBUF)]
            + [pltpu.VMEM((rows_per_tile, H), jnp.float32)]
            + [pltpu.SemaphoreType.DMA for _ in range(2 * NBUF)]
        ),
    )
    def pool(x_hbm, emb_hbm, out_hbm, *refs):
        idx = refs[0:NBUF]
        rows = refs[NBUF:2 * NBUF]
        outst = refs[2 * NBUF]
        sidx = refs[2 * NBUF + 1:2 * NBUF + 1 + NBUF]
        srows = refs[2 * NBUF + 1 + NBUF:2 * NBUF + 1 + 2 * NBUF]

        wid = lax.axis_index("s") * NC + lax.axis_index("c")
        row0 = wid * rows_per_tile
        arow0 = row_start + row0

        def idx_copy(ci, p):
            return pltpu.make_async_copy(
                x_hbm.at[pl.ds(arow0 + ci * CH, CH), :], idx[p], sidx[p])

        def gather_start(p):
            pltpu.make_async_copy(
                emb_hbm.at[idx[p].at[0]], rows[p], srows[p]).start()

        def gather_wait(p):
            pltpu.make_async_copy(
                emb_hbm.at[idx[p].at[0]], rows[p], srows[p]).wait()

        def reduce_compute(ci, p):
            rv = rows[p]

            def s_body(si, accs):
                s = si * 2
                new = list(accs)
                for t in (s, s + 1):
                    for c in range(HCH):
                        new[c] = new[c] + rv[t, pl.ds(c * LANES, LANES)]
                return tuple(new)

            accs = lax.fori_loop(
                0, S // 2, s_body,
                tuple(jnp.zeros((LANES,), jnp.float32)
                      for _ in range(HCH)),
            )
            for c in range(HCH):
                outst[ci, pl.ds(c * LANES, LANES)] = accs[c] * (1.0 / S)

        for p in range(NBUF):
            idx_copy(p, p).start()
        for p in range(NBUF - 1):
            idx_copy(p, p).wait()
            gather_start(p)

        def step(ci, p):
            gather_wait(p)

            @pl.when(ci + NBUF < n_chunk)
            def _():
                idx_copy(ci + NBUF, p).start()

            @pl.when(ci + NBUF - 1 < n_chunk)
            def _():
                q = (p + NBUF - 1) % NBUF
                idx_copy(ci + NBUF - 1, q).wait()
                gather_start(q)
            reduce_compute(ci, p)

        def body(gi, carry):
            for p in range(NBUF):
                step(gi * NBUF + p, p)
            return carry

        lax.fori_loop(0, n_chunk // NBUF, body, 0)
        pltpu.sync_copy(outst, out_hbm.at[pl.ds(row0, rows_per_tile)])

    return pool


_pool = _make_pool(B, 0)


def _mm_body_t(w_ref, bow_ref, b_ref, out_ref):
    out_ref[...] = (
        lax.dot_general(
            w_ref[...], bow_ref[...],
            (((1,), (1,)), ((), ())),
            preferred_element_type=jnp.float32,
        )
        + b_ref[...]
    )


BLK = 2048


def _matmul_t(bow, W, bcol):
    return pl.pallas_call(
        _mm_body_t,
        grid=(B // BLK,),
        in_specs=[
            pl.BlockSpec((C, H), lambda i: (0, 0)),
            pl.BlockSpec((BLK, H), lambda i: (i, 0)),
            pl.BlockSpec((C, 1), lambda i: (0, 0)),
        ],
        out_specs=pl.BlockSpec((C, BLK), lambda i: (0, i)),
        out_shape=jax.ShapeDtypeStruct((C, B), jnp.float32),
    )(W, bow, bcol)


def kernel(x, emb, W, b):
    xf = x.astype(jnp.int32)
    bow = _pool(xf, emb)
    logits_t = _matmul_t(bow, W, b.reshape(C, 1))
    return logits_t.T

# --- scband reference (transcript-rebuilt; emitter-appended) ---
"""Pipeline reference for scband-bo-wmodel-15358803050605 (READ-ONLY COPY).

The authoritative reference and input builder live on the scoring server;
editing this copy changes nothing except your own understanding.
"""

import jax, jax.numpy as jnp
import numpy as np

VOCAB = 100000
NUM_CLASSES = 1000
HIDDEN = 128
BATCH = 4096
SEQ = 200

def setup_inputs(seed: int = 0) -> dict:
    key = jax.random.key(seed)
    k_x, k_emb, k_w, k_b = jax.random.split(key, 4)
    x = jax.random.randint(k_x, (BATCH, SEQ), 0, VOCAB, dtype=jnp.int64 if jax.config.jax_enable_x64 else jnp.int32)
    emb = jax.random.normal(k_emb, (VOCAB, HIDDEN), dtype=jnp.float32) * 0.02
    W = jax.random.normal(k_w, (NUM_CLASSES, HIDDEN), dtype=jnp.float32) * (1.0 / np.sqrt(HIDDEN))
    b = jax.random.normal(k_b, (NUM_CLASSES,), dtype=jnp.float32) * 0.01
    return {"x": x, "emb": emb, "W": W, "b": b}

def reference(x, emb, W, b):
    # nn.Embedding lookup -> gather
    embedded = jnp.take(emb, x, axis=0)            # [B, S, H]
    # mean over sequence dim (bag-of-words pooling)
    bow_rep = embedded.mean(axis=1)                 # [B, H]
    # nn.Linear: x @ W.T + b
    logits = bow_rep @ W.T + b                      # [B, C]
    return logits

if __name__ == "__main__":
    import jax
    _d = setup_inputs()
    print(jax.jit(kernel)(*tuple(_d.values())))

</pallas_src>

<mosaic_0001>
#map = affine_map<(d0, d1) -> (0, 0)>
module attributes {stable_mosaic.version = 14 : i64} {
  func.func @pool(%arg0: i32, %arg1: i32, %arg2: memref<4096x200xi32, #tpu.memory_space<hbm>>, %arg3: memref<100000x128xf32, #tpu.memory_space<hbm>>, %arg4: memref<4096x128xf32, #tpu.memory_space<hbm>>, %arg5: memref<1x200xi32, #tpu.memory_space<vmem>>, %arg6: memref<1x200xi32, #tpu.memory_space<vmem>>, %arg7: memref<1x200xi32, #tpu.memory_space<vmem>>, %arg8: memref<1x200xi32, #tpu.memory_space<vmem>>, %arg9: memref<200x128xf32, #tpu.memory_space<vmem>>, %arg10: memref<200x128xf32, #tpu.memory_space<vmem>>, %arg11: memref<200x128xf32, #tpu.memory_space<vmem>>, %arg12: memref<200x128xf32, #tpu.memory_space<vmem>>, %arg13: memref<128x128xf32, #tpu.memory_space<vmem>>, %arg14: memref<!tpu.dma_semaphore, #tpu.memory_space<semaphore_mem>>, %arg15: memref<!tpu.dma_semaphore, #tpu.memory_space<semaphore_mem>>, %arg16: memref<!tpu.dma_semaphore, #tpu.memory_space<semaphore_mem>>, %arg17: memref<!tpu.dma_semaphore, #tpu.memory_space<semaphore_mem>>, %arg18: memref<!tpu.dma_semaphore, #tpu.memory_space<semaphore_mem>>, %arg19: memref<!tpu.dma_semaphore, #tpu.memory_space<semaphore_mem>>, %arg20: memref<!tpu.dma_semaphore, #tpu.memory_space<semaphore_mem>>, %arg21: memref<!tpu.dma_semaphore, #tpu.memory_space<semaphore_mem>>) attributes {dimension_semantics = [#tpu.dimension_semantics<core_parallel>, #tpu.dimension_semantics<subcore_parallel>], iteration_bounds = array<i64: 2, 16>, scalar_prefetch = 0 : i64, scratch_operands = 17 : i64, tpu.core_type = #tpu.core_type<sc_vector_subcore>, window_params = [{transform_indices = #map}, {transform_indices = #map}, {transform_indices = #map}]} {
    %mul3A = arith.constant 2 : i32
    %mul3A_0 = arith.muli %arg1, %mul3A : i32
    %add3A = arith.addi %mul3A_0, %arg0 : i32
    %mul3A_1 = arith.constant 128 : i32
    %mul3A_2 = arith.muli %add3A, %mul3A_1 : i32
    %add3A_3 = arith.constant 0 : i32
    %add3A_4 = arith.addi %add3A_3, %mul3A_2 : i32
    %add3A_5 = arith.constant 0 : i32
    %add3A_6 = arith.addi %add3A_4, %add3A_5 : i32
    %dma_start3A = arith.constant 0 : i32
    %dma_start3A_7 = tpu.memref_slice %arg2[%add3A_6, %dma_start3A] : memref<4096x200xi32, #tpu.memory_space<hbm>> -> memref<1x200xi32, #tpu.memory_space<hbm>>
    %dma_start3A_8 = arith.constant 0 : i32
    %dma_start3A_9 = tpu.memref_slice %arg2[%add3A_6, %dma_start3A_8] : memref<4096x200xi32, #tpu.memory_space<hbm>> -> memref<1x200xi32, #tpu.memory_space<hbm>>
    tpu.enqueue_dma source(%dma_start3A_9 : memref<1x200xi32, #tpu.memory_space<hbm>>) target(%arg5 : memref<1x200xi32, #tpu.memory_space<vmem>>) target_semaphore(%arg14 : memref<!tpu.dma_semaphore, #tpu.memory_space<semaphore_mem>>)
    %add3A_10 = arith.constant 1 : i32
    %add3A_11 = arith.addi %add3A_4, %add3A_10 : i32
    %dma_start3A_12 = arith.constant 0 : i32
    %dma_start3A_13 = tpu.memref_slice %arg2[%add3A_11, %dma_start3A_12] : memref<4096x200xi32, #tpu.memory_space<hbm>> -> memref<1x200xi32, #tpu.memory_space<hbm>>
    %dma_start3A_14 = arith.constant 0 : i32
    %dma_start3A_15 = tpu.memref_slice %arg2[%add3A_11, %dma_start3A_14] : memref<4096x200xi32, #tpu.memory_space<hbm>> -> memref<1x200xi32, #tpu.memory_space<hbm>>
    tpu.enqueue_dma source(%dma_start3A_15 : memref<1x200xi32, #tpu.memory_space<hbm>>) target(%arg6 : memref<1x200xi32, #tpu.memory_space<vmem>>) target_semaphore(%arg15 : memref<!tpu.dma_semaphore, #tpu.memory_space<semaphore_mem>>)
    %add3A_16 = arith.constant 2 : i32
    %add3A_17 = arith.addi %add3A_4, %add3A_16 : i32
    %dma_start3A_18 = arith.constant 0 : i32
    %dma_start3A_19 = tpu.memref_slice %arg2[%add3A_17, %dma_start3A_18] : memref<4096x200xi32, #tpu.memory_space<hbm>> -> memref<1x200xi32, #tpu.memory_space<hbm>>
    %dma_start3A_20 = arith.constant 0 : i32
    %dma_start3A_21 = tpu.memref_slice %arg2[%add3A_17, %dma_start3A_20] : memref<4096x200xi32, #tpu.memory_space<hbm>> -> memref<1x200xi32, #tpu.memory_space<hbm>>
    tpu.enqueue_dma source(%dma_start3A_21 : memref<1x200xi32, #tpu.memory_space<hbm>>) target(%arg7 : memref<1x200xi32, #tpu.memory_space<vmem>>) target_semaphore(%arg16 : memref<!tpu.dma_semaphore, #tpu.memory_space<semaphore_mem>>)
    %add3A_22 = arith.constant 3 : i32
    %add3A_23 = arith.addi %add3A_4, %add3A_22 : i32
    %dma_start3A_24 = arith.constant 0 : i32
    %dma_start3A_25 = tpu.memref_slice %arg2[%add3A_23, %dma_start3A_24] : memref<4096x200xi32, #tpu.memory_space<hbm>> -> memref<1x200xi32, #tpu.memory_space<hbm>>
    %dma_start3A_26 = arith.constant 0 : i32
    %dma_start3A_27 = tpu.memref_slice %arg2[%add3A_23, %dma_start3A_26] : memref<4096x200xi32, #tpu.memory_space<hbm>> -> memref<1x200xi32, #tpu.memory_space<hbm>>
    tpu.enqueue_dma source(%dma_start3A_27 : memref<1x200xi32, #tpu.memory_space<hbm>>) target(%arg8 : memref<1x200xi32, #tpu.memory_space<vmem>>) target_semaphore(%arg17 : memref<!tpu.dma_semaphore, #tpu.memory_space<semaphore_mem>>)
    %add3A_28 = arith.constant 0 : i32
    %add3A_29 = arith.addi %add3A_4, %add3A_28 : i32
    %dma_wait3A = arith.constant 0 : i32
    %dma_wait3A_30 = tpu.memref_slice %arg2[%add3A_29, %dma_wait3A] : memref<4096x200xi32, #tpu.memory_space<hbm>> -> memref<1x200xi32, #tpu.memory_space<hbm>>
    %dma_wait3A_31 = arith.constant 0 : i32
    %dma_wait3A_32 = tpu.memref_slice %arg2[%add3A_29, %dma_wait3A_31] : memref<4096x200xi32, #tpu.memory_space<hbm>> -> memref<1x200xi32, #tpu.memory_space<hbm>>
    tpu.wait_dma2 semaphore(%arg14 : memref<!tpu.dma_semaphore, #tpu.memory_space<semaphore_mem>>) src(%dma_wait3A_32 : memref<1x200xi32, #tpu.memory_space<hbm>>) dst(%arg5 : memref<1x200xi32, #tpu.memory_space<vmem>>)
    %dma_start3A_33 = arith.constant 0 : i32
    %dma_start3A_34 = arith.constant 0 : i32
    %dma_start3A_35 = tpu.memref_slice %arg5[%dma_start3A_33, %dma_start3A_34] : memref<1x200xi32, #tpu.memory_space<vmem>> -> memref<1x200xi32, #tpu.memory_space<vmem>>
    %dma_start3A_36 = tpu.memref_squeeze %dma_start3A_35 : memref<1x200xi32, #tpu.memory_space<vmem>> -> memref<200xi32, #tpu.memory_space<vmem>>
    %dma_start3A_37 = arith.constant 0 : i32
    %dma_start3A_38 = arith.constant 0 : i32
    %dma_start3A_39 = tpu.memref_slice %arg3[%dma_start3A_37, %dma_start3A_38] : memref<100000x128xf32, #tpu.memory_space<hbm>> -> memref<100000x128xf32, #tpu.memory_space<hbm>>
    tpu.enqueue_indirect_dma source(%dma_start3A_39 : memref<100000x128xf32, #tpu.memory_space<hbm>>) target(%arg9 : memref<200x128xf32, #tpu.memory_space<vmem>>) offsets(%dma_start3A_36 : memref<200xi32, #tpu.memory_space<vmem>>) semaphore(%arg18 : memref<!tpu.dma_semaphore, #tpu.memory_space<semaphore_mem>>)
    %add3A_40 = arith.constant 1 : i32
    %add3A_41 = arith.addi %add3A_4, %add3A_40 : i32
    %dma_wait3A_42 = arith.constant 0 : i32
    %dma_wait3A_43 = tpu.memref_slice %arg2[%add3A_41, %dma_wait3A_42] : memref<4096x200xi32, #tpu.memory_space<hbm>> -> memref<1x200xi32, #tpu.memory_space<hbm>>
    %dma_wait3A_44 = arith.constant 0 : i32
    %dma_wait3A_45 = tpu.memref_slice %arg2[%add3A_41, %dma_wait3A_44] : memref<4096x200xi32, #tpu.memory_space<hbm>> -> memref<1x200xi32, #tpu.memory_space<hbm>>
    tpu.wait_dma2 semaphore(%arg15 : memref<!tpu.dma_semaphore, #tpu.memory_space<semaphore_mem>>) src(%dma_wait3A_45 : memref<1x200xi32, #tpu.memory_space<hbm>>) dst(%arg6 : memref<1x200xi32, #tpu.memory_space<vmem>>)
    %dma_start3A_46 = arith.constant 0 : i32
    %dma_start3A_47 = arith.constant 0 : i32
    %dma_start3A_48 = tpu.memref_slice %arg6[%dma_start3A_46, %dma_start3A_47] : memref<1x200xi32, #tpu.memory_space<vmem>> -> memref<1x200xi32, #tpu.memory_space<vmem>>
    %dma_start3A_49 = tpu.memref_squeeze %dma_start3A_48 : memref<1x200xi32, #tpu.memory_space<vmem>> -> memref<200xi32, #tpu.memory_space<vmem>>
    %dma_start3A_50 = arith.constant 0 : i32
    %dma_start3A_51 = arith.constant 0 : i32
    %dma_start3A_52 = tpu.memref_slice %arg3[%dma_start3A_50, %dma_start3A_51] : memref<100000x128xf32, #tpu.memory_space<hbm>> -> memref<100000x128xf32, #tpu.memory_space<hbm>>
    tpu.enqueue_indirect_dma source(%dma_start3A_52 : memref<100000x128xf32, #tpu.memory_space<hbm>>) target(%arg10 : memref<200x128xf32, #tpu.memory_space<vmem>>) offsets(%dma_start3A_49 : memref<200xi32, #tpu.memory_space<vmem>>) semaphore(%arg19 : memref<!tpu.dma_semaphore, #tpu.memory_space<semaphore_mem>>)
    %add3A_53 = arith.constant 2 : i32
    %add3A_54 = arith.addi %add3A_4, %add3A_53 : i32
    %dma_wait3A_55 = arith.constant 0 : i32
    %dma_wait3A_56 = tpu.memref_slice %arg2[%add3A_54, %dma_wait3A_55] : memref<4096x200xi32, #tpu.memory_space<hbm>> -> memref<1x200xi32, #tpu.memory_space<hbm>>
    %dma_wait3A_57 = arith.constant 0 : i32
    %dma_wait3A_58 = tpu.memref_slice %arg2[%add3A_54, %dma_wait3A_57] : memref<4096x200xi32, #tpu.memory_space<hbm>> -> memref<1x200xi32, #tpu.memory_space<hbm>>
    tpu.wait_dma2 semaphore(%arg16 : memref<!tpu.dma_semaphore, #tpu.memory_space<semaphore_mem>>) src(%dma_wait3A_58 : memref<1x200xi32, #tpu.memory_space<hbm>>) dst(%arg7 : memref<1x200xi32, #tpu.memory_space<vmem>>)
    %dma_start3A_59 = arith.constant 0 : i32
    %dma_start3A_60 = arith.constant 0 : i32
    %dma_start3A_61 = tpu.memref_slice %arg7[%dma_start3A_59, %dma_start3A_60] : memref<1x200xi32, #tpu.memory_space<vmem>> -> memref<1x200xi32, #tpu.memory_space<vmem>>
    %dma_start3A_62 = tpu.memref_squeeze %dma_start3A_61 : memref<1x200xi32, #tpu.memory_space<vmem>> -> memref<200xi32, #tpu.memory_space<vmem>>
    %dma_start3A_63 = arith.constant 0 : i32
    %dma_start3A_64 = arith.constant 0 : i32
    %dma_start3A_65 = tpu.memref_slice %arg3[%dma_start3A_63, %dma_start3A_64] : memref<100000x128xf32, #tpu.memory_space<hbm>> -> memref<100000x128xf32, #tpu.memory_space<hbm>>
    tpu.enqueue_indirect_dma source(%dma_start3A_65 : memref<100000x128xf32, #tpu.memory_space<hbm>>) target(%arg11 : memref<200x128xf32, #tpu.memory_space<vmem>>) offsets(%dma_start3A_62 : memref<200xi32, #tpu.memory_space<vmem>>) semaphore(%arg20 : memref<!tpu.dma_semaphore, #tpu.memory_space<semaphore_mem>>)
    %scan3A = arith.constant 0 : i32
    %scan3A_66 = arith.constant 0 : i32
    %scan3A_67 = arith.constant 32 : i32
    %scan3A_68 = arith.addi %scan3A_66, %scan3A_67 : i32
    %scan3A_69 = arith.constant 1 : i32
    scf.for %scan3A_71 = %scan3A_66 to %scan3A_68 step %scan3A_69  : i32 {
      %mul3A_72 = arith.constant 4 : i32
      %mul3A_73 = arith.muli %scan3A_71, %mul3A_72 : i32
      %add3A_74 = arith.constant 0 : i32
      %add3A_75 = arith.addi %mul3A_73, %add3A_74 : i32
      %dma_wait3A_76 = arith.constant 0 : i32
      %dma_wait3A_77 = arith.constant 0 : i32
      %dma_wait3A_78 = tpu.memref_slice %arg5[%dma_wait3A_76, %dma_wait3A_77] : memref<1x200xi32, #tpu.memory_space<vmem>> -> memref<1x200xi32, #tpu.memory_space<vmem>>
      %dma_wait3A_79 = tpu.memref_squeeze %dma_wait3A_78 : memref<1x200xi32, #tpu.memory_space<vmem>> -> memref<200xi32, #tpu.memory_space<vmem>>
      %dma_wait3A_80 = arith.constant 0 : i32
      %dma_wait3A_81 = arith.constant 0 : i32
      %dma_wait3A_82 = tpu.memref_slice %arg3[%dma_wait3A_80, %dma_wait3A_81] : memref<100000x128xf32, #tpu.memory_space<hbm>> -> memref<100000x128xf32, #tpu.memory_space<hbm>>
      tpu.wait_indirect_dma semaphore(%arg18 : memref<!tpu.dma_semaphore, #tpu.memory_space<semaphore_mem>>) src(%dma_wait3A_82 : memref<100000x128xf32, #tpu.memory_space<hbm>>) dst(%arg9 : memref<200x128xf32, #tpu.memory_space<vmem>>)
      %add3A_83 = arith.constant 4 : i32
      %add3A_84 = arith.addi %add3A_75, %add3A_83 : i32
      %lt3A = arith.constant 128 : i32
      %lt3A_85 = arith.cmpi slt, %add3A_84, %lt3A : i32
      %convert_element_type3A = arith.extui %lt3A_85 : i1 to i32
      %cond3A = arith.constant 0 : i32
      %cond3A_86 = arith.cmpi ne, %convert_element_type3A, %cond3A : i32
      scf.if %cond3A_86 {
        %add3A_518 = arith.constant 4 : i32
        %add3A_519 = arith.addi %add3A_75, %add3A_518 : i32
        %mul3A_520 = arith.constant 1 : i32
        %mul3A_521 = arith.muli %add3A_519, %mul3A_520 : i32
        %add3A_522 = arith.addi %add3A_4, %mul3A_521 : i32
        %dma_start3A_523 = arith.constant 0 : i32
        %dma_start3A_524 = tpu.memref_slice %arg2[%add3A_522, %dma_start3A_523] : memref<4096x200xi32, #tpu.memory_space<hbm>> -> memref<1x200xi32, #tpu.memory_space<hbm>>
        %dma_start3A_525 = arith.constant 0 : i32
        %dma_start3A_526 = tpu.memref_slice %arg2[%add3A_522, %dma_start3A_525] : memref<4096x200xi32, #tpu.memory_space<hbm>> -> memref<1x200xi32, #tpu.memory_space<hbm>>
        tpu.enqueue_dma source(%dma_start3A_526 : memref<1x200xi32, #tpu.memory_space<hbm>>) target(%arg5 : memref<1x200xi32, #tpu.memory_space<vmem>>) target_semaphore(%arg14 : memref<!tpu.dma_semaphore, #tpu.memory_space<semaphore_mem>>)
      } else {
      }
      %add3A_87 = arith.constant 4 : i32
      %add3A_88 = arith.addi %add3A_75, %add3A_87 : i32
      %sub3A = arith.constant 1 : i32
      %sub3A_89 = arith.subi %add3A_88, %sub3A : i32
      %lt3A_90 = arith.constant 128 : i32
      %lt3A_91 = arith.cmpi slt, %sub3A_89, %lt3A_90 : i32
      %convert_element_type3A_92 = arith.extui %lt3A_91 : i1 to i32
      %cond3A_93 = arith.constant 0 : i32
      %cond3A_94 = arith.cmpi ne, %convert_element_type3A_92, %cond3A_93 : i32
      scf.if %cond3A_94 {
        %add3A_518 = arith.constant 4 : i32
        %add3A_519 = arith.addi %add3A_75, %add3A_518 : i32
        %sub3A_520 = arith.constant 1 : i32
        %sub3A_521 = arith.subi %add3A_519, %sub3A_520 : i32
        %mul3A_522 = arith.constant 1 : i32
        %mul3A_523 = arith.muli %sub3A_521, %mul3A_522 : i32
        %add3A_524 = arith.addi %add3A_4, %mul3A_523 : i32
        %dma_wait3A_525 = arith.constant 0 : i32
        %dma_wait3A_526 = tpu.memref_slice %arg2[%add3A_524, %dma_wait3A_525] : memref<4096x200xi32, #tpu.memory_space<hbm>> -> memref<1x200xi32, #tpu.memory_space<hbm>>
        %dma_wait3A_527 = arith.constant 0 : i32
        %dma_wait3A_528 = tpu.memref_slice %arg2[%add3A_524, %dma_wait3A_527] : memref<4096x200xi32, #tpu.memory_space<hbm>> -> memref<1x200xi32, #tpu.memory_space<hbm>>
        tpu.wait_dma2 semaphore(%arg17 : memref<!tpu.dma_semaphore, #tpu.memory_space<semaphore_mem>>) src(%dma_wait3A_528 : memref<1x200xi32, #tpu.memory_space<hbm>>) dst(%arg8 : memref<1x200xi32, #tpu.memory_space<vmem>>)
        %dma_start3A_529 = arith.constant 0 : i32
        %dma_start3A_530 = arith.constant 0 : i32
        %dma_start3A_531 = tpu.memref_slice %arg8[%dma_start3A_529, %dma_start3A_530] : memref<1x200xi32, #tpu.memory_space<vmem>> -> memref<1x200xi32, #tpu.memory_space<vmem>>
        %dma_start3A_532 = tpu.memref_squeeze %dma_start3A_531 : memref<1x200xi32, #tpu.memory_space<vmem>> -> memref<200xi32, #tpu.memory_space<vmem>>
        %dma_start3A_533 = arith.constant 0 : i32
        %dma_start3A_534 = arith.constant 0 : i32
        %dma_start3A_535 = tpu.memref_slice %arg3[%dma_start3A_533, %dma_start3A_534] : memref<100000x128xf32, #tpu.memory_space<hbm>> -> memref<100000x128xf32, #tpu.memory_space<hbm>>
        tpu.enqueue_indirect_dma source(%dma_start3A_535 : memref<100000x128xf32, #tpu.memory_space<hbm>>) target(%arg12 : memref<200x128xf32, #tpu.memory_space<vmem>>) offsets(%dma_start3A_532 : memref<200xi32, #tpu.memory_space<vmem>>) semaphore(%arg21 : memref<!tpu.dma_semaphore, #tpu.memory_space<semaphore_mem>>)
      } else {
      }
      %broadcast_in_dim3A = arith.constant 0.000000e+00 : f32
      %broadcast_in_dim3A_95 = vector.broadcast %broadcast_in_dim3A : f32 to vector<16xf32>
      %broadcast_in_dim3A_96 = arith.constant 0.000000e+00 : f32
      %broadcast_in_dim3A_97 = vector.broadcast %broadcast_in_dim3A_96 : f32 to vector<16xf32>
      %broadcast_in_dim3A_98 = arith.constant 0.000000e+00 : f32
      %broadcast_in_dim3A_99 = vector.broadcast %broadcast_in_dim3A_98 : f32 to vector<16xf32>
      %broadcast_in_dim3A_100 = arith.constant 0.000000e+00 : f32
      %broadcast_in_dim3A_101 = vector.broadcast %broadcast_in_dim3A_100 : f32 to vector<16xf32>
      %broadcast_in_dim3A_102 = arith.constant 0.000000e+00 : f32
      %broadcast_in_dim3A_103 = vector.broadcast %broadcast_in_dim3A_102 : f32 to vector<16xf32>
      %broadcast_in_dim3A_104 = arith.constant 0.000000e+00 : f32
      %broadcast_in_dim3A_105 = vector.broadcast %broadcast_in_dim3A_104 : f32 to vector<16xf32>
      %broadcast_in_dim3A_106 = arith.constant 0.000000e+00 : f32
      %broadcast_in_dim3A_107 = vector.broadcast %broadcast_in_dim3A_106 : f32 to vector<16xf32>
      %broadcast_in_dim3A_108 = arith.constant 0.000000e+00 : f32
      %broadcast_in_dim3A_109 = vector.broadcast %broadcast_in_dim3A_108 : f32 to vector<16xf32>
      %scan3A_110 = arith.constant 0 : i32
      %scan3A_111 = arith.constant 100 : i32
      %scan3A_112 = arith.addi %scan3A_110, %scan3A_111 : i32
      %scan3A_113 = arith.constant 1 : i32
      %scan3A_114:8 = scf.for %scan3A_518 = %scan3A_110 to %scan3A_112 step %scan3A_113 iter_args(%scan3A_519 = %broadcast_in_dim3A_95, %scan3A_520 = %broadcast_in_dim3A_97, %scan3A_521 = %broadcast_in_dim3A_99, %scan3A_522 = %broadcast_in_dim3A_101, %scan3A_523 = %broadcast_in_dim3A_103, %scan3A_524 = %broadcast_in_dim3A_105, %scan3A_525 = %broadcast_in_dim3A_107, %scan3A_526 = %broadcast_in_dim3A_109) -> (vector<16xf32>, vector<16xf32>, vector<16xf32>, vector<16xf32>, vector<16xf32>, vector<16xf32>, vector<16xf32>, vector<16xf32>)  : i32 {
        %mul3A_527 = arith.constant 2 : i32
        %mul3A_528 = arith.muli %scan3A_518, %mul3A_527 : i32
        %add3A_529 = arith.constant 1 : i32
        %add3A_530 = arith.addi %mul3A_528, %add3A_529 : i32
        %get3A = arith.index_cast %mul3A_528 : i32 to index
        %get3A_531 = arith.constant 0 : index
        %get3A_532 = tpu.vector_load %arg9[%get3A, %get3A_531] {strides = array<i32>} : memref<200x128xf32, #tpu.memory_space<vmem>>, vector<1x16xf32>,
        %get3A_533 = vector.shape_cast %get3A_532 : vector<1x16xf32> to vector<16xf32>
        %add3A_534 = arith.addf %scan3A_519, %get3A_533 : vector<16xf32>
        %get3A_535 = arith.index_cast %mul3A_528 : i32 to index
        %get3A_536 = arith.constant 16 : index
        %get3A_537 = tpu.vector_load %arg9[%get3A_535, %get3A_536] {strides = array<i32>} : memref<200x128xf32, #tpu.memory_space<vmem>>, vector<1x16xf32>,
        %get3A_538 = vector.shape_cast %get3A_537 : vector<1x16xf32> to vector<16xf32>
        %add3A_539 = arith.addf %scan3A_520, %get3A_538 : vector<16xf32>
        %get3A_540 = arith.index_cast %mul3A_528 : i32 to index
        %get3A_541 = arith.constant 32 : index
        %get3A_542 = tpu.vector_load %arg9[%get3A_540, %get3A_541] {strides = array<i32>} : memref<200x128xf32, #tpu.memory_space<vmem>>, vector<1x16xf32>,
        %get3A_543 = vector.shape_cast %get3A_542 : vector<1x16xf32> to vector<16xf32>
        %add3A_544 = arith.addf %scan3A_521, %get3A_543 : vector<16xf32>
        %get3A_545 = arith.index_cast %mul3A_528 : i32 to index
        %get3A_546 = arith.constant 48 : index
        %get3A_547 = tpu.vector_load %arg9[%get3A_545, %get3A_546] {strides = array<i32>} : memref<200x128xf32, #tpu.memory_space<vmem>>, vector<1x16xf32>,
        %get3A_548 = vector.shape_cast %get3A_547 : vector<1x16xf32> to vector<16xf32>
        %add3A_549 = arith.addf %scan3A_522, %get3A_548 : vector<16xf32>
        %get3A_550 = arith.index_cast %mul3A_528 : i32 to index
        %get3A_551 = arith.constant 64 : index
        %get3A_552 = tpu.vector_load %arg9[%get3A_550, %get3A_551] {strides = array<i32>} : memref<200x128xf32, #tpu.memory_space<vmem>>, vector<1x16xf32>,
        %get3A_553 = vector.shape_cast %get3A_552 : vector<1x16xf32> to vector<16xf32>
        %add3A_554 = arith.addf %scan3A_523, %get3A_553 : vector<16xf32>
        %get3A_555 = arith.index_cast %mul3A_528 : i32 to index
        %get3A_556 = arith.constant 80 : index
        %get3A_557 = tpu.vector_load %arg9[%get3A_555, %get3A_556] {strides = array<i32>} : memref<200x128xf32, #tpu.memory_space<vmem>>, vector<1x16xf32>,
        %get3A_558 = vector.shape_cast %get3A_557 : vector<1x16xf32> to vector<16xf32>
        %add3A_559 = arith.addf %scan3A_524, %get3A_558 : vector<16xf32>
        %get3A_560 = arith.index_cast %mul3A_528 : i32 to index
        %get3A_561 = arith.constant 96 : index
        %get3A_562 = tpu.vector_load %arg9[%get3A_560, %get3A_561] {strides = array<i32>} : memref<200x128xf32, #tpu.memory_space<vmem>>, vector<1x16xf32>,
        %get3A_563 = vector.shape_cast %get3A_562 : vector<1x16xf32> to vector<16xf32>
        %add3A_564 = arith.addf %scan3A_525, %get3A_563 : vector<16xf32>
        %get3A_565 = arith.index_cast %mul3A_528 : i32 to index
        %get3A_566 = arith.constant 112 : index
        %get3A_567 = tpu.vector_load %arg9[%get3A_565, %get3A_566] {strides = array<i32>} : memref<200x128xf32, #tpu.memory_space<vmem>>, vector<1x16xf32>,
        %get3A_568 = vector.shape_cast %get3A_567 : vector<1x16xf32> to vector<16xf32>
        %add3A_569 = arith.addf %scan3A_526, %get3A_568 : vector<16xf32>
        %get3A_570 = arith.index_cast %add3A_530 : i32 to index
        %get3A_571 = arith.constant 0 : index
        %get3A_572 = tpu.vector_load %arg9[%get3A_570, %get3A_571] {strides = array<i32>} : memref<200x128xf32, #tpu.memory_space<vmem>>, vector<1x16xf32>,
        %get3A_573 = vector.shape_cast %get3A_572 : vector<1x16xf32> to vector<16xf32>
        %add3A_574 = arith.addf %add3A_534, %get3A_573 : vector<16xf32>
        %get3A_575 = arith.index_cast %add3A_530 : i32 to index
        %get3A_576 = arith.constant 16 : index
        %get3A_577 = tpu.vector_load %arg9[%get3A_575, %get3A_576] {strides = array<i32>} : memref<200x128xf32, #tpu.memory_space<vmem>>, vector<1x16xf32>,
        %get3A_578 = vector.shape_cast %get3A_577 : vector<1x16xf32> to vector<16xf32>
        %add3A_579 = arith.addf %add3A_539, %get3A_578 : vector<16xf32>
        %get3A_580 = arith.index_cast %add3A_530 : i32 to index
        %get3A_581 = arith.constant 32 : index
        %get3A_582 = tpu.vector_load %arg9[%get3A_580, %get3A_581] {strides = array<i32>} : memref<200x128xf32, #tpu.memory_space<vmem>>, vector<1x16xf32>,
        %get3A_583 = vector.shape_cast %get3A_582 : vector<1x16xf32> to vector<16xf32>
        %add3A_584 = arith.addf %add3A_544, %get3A_583 : vector<16xf32>
        %get3A_585 = arith.index_cast %add3A_530 : i32 to index
        %get3A_586 = arith.constant 48 : index
        %get3A_587 = tpu.vector_load %arg9[%get3A_585, %get3A_586] {strides = array<i32>} : memref<200x128xf32, #tpu.memory_space<vmem>>, vector<1x16xf32>,
        %get3A_588 = vector.shape_cast %get3A_587 : vector<1x16xf32> to vector<16xf32>
        %add3A_589 = arith.addf %add3A_549, %get3A_588 : vector<16xf32>
        %get3A_590 = arith.index_cast %add3A_530 : i32 to index
        %get3A_591 = arith.constant 64 : index
        %get3A_592 = tpu.vector_load %arg9[%get3A_590, %get3A_591] {strides = array<i32>} : memref<200x128xf32, #tpu.memory_space<vmem>>, vector<1x16xf32>,
        %get3A_593 = vector.shape_cast %get3A_592 : vector<1x16xf32> to vector<16xf32>
        %add3A_594 = arith.addf %add3A_554, %get3A_593 : vector<16xf32>
        %get3A_595 = arith.index_cast %add3A_530 : i32 to index
        %get3A_596 = arith.constant 80 : index
        %get3A_597 = tpu.vector_load %arg9[%get3A_595, %get3A_596] {strides = array<i32>} : memref<200x128xf32, #tpu.memory_space<vmem>>, vector<1x16xf32>,
        %get3A_598 = vector.shape_cast %get3A_597 : vector<1x16xf32> to vector<16xf32>
        %add3A_599 = arith.addf %add3A_559, %get3A_598 : vector<16xf32>
        %get3A_600 = arith.index_cast %add3A_530 : i32 to index
        %get3A_601 = arith.constant 96 : index
        %get3A_602 = tpu.vector_load %arg9[%get3A_600, %get3A_601] {strides = array<i32>} : memref<200x128xf32, #tpu.memory_space<vmem>>, vector<1x16xf32>,
        %get3A_603 = vector.shape_cast %get3A_602 : vector<1x16xf32> to vector<16xf32>
        %add3A_604 = arith.addf %add3A_564, %get3A_603 : vector<16xf32>
        %get3A_605 = arith.index_cast %add3A_530 : i32 to index
        %get3A_606 = arith.constant 112 : index
        %get3A_607 = tpu.vector_load %arg9[%get3A_605, %get3A_606] {strides = array<i32>} : memref<200x128xf32, #tpu.memory_space<vmem>>, vector<1x16xf32>,
        %get3A_608 = vector.shape_cast %get3A_607 : vector<1x16xf32> to vector<16xf32>
        %add3A_609 = arith.addf %add3A_569, %get3A_608 : vector<16xf32>
        scf.yield %add3A_574, %add3A_579, %add3A_584, %add3A_589, %add3A_594, %add3A_599, %add3A_604, %add3A_609 : vector<16xf32>, vector<16xf32>, vector<16xf32>, vector<16xf32>, vector<16xf32>, vector<16xf32>, vector<16xf32>, vector<16xf32>
      }
      %scan3A_115 = arith.constant 100 : i32
      %mul3A_116 = arith.constant 5.000000e-03 : f32
      %mul3A_117 = vector.broadcast %mul3A_116 : f32 to vector<16xf32>
      %mul3A_118 = arith.mulf %scan3A_114#0, %mul3A_117 : vector<16xf32>
      %swap3A = arith.index_cast %add3A_75 : i32 to index
      %swap3A_119 = arith.constant 0 : index
      %swap3A_120 = tpu.vector_load %arg13[%swap3A, %swap3A_119] {strides = array<i32>} : memref<128x128xf32, #tpu.memory_space<vmem>>, vector<1x16xf32>,
      %swap3A_121 = vector.shape_cast %swap3A_120 : vector<1x16xf32> to vector<16xf32>
      %swap3A_122 = vector.shape_cast %mul3A_118 : vector<16xf32> to vector<1x16xf32>
      tpu.vector_store %arg13[%swap3A, %swap3A_119], %swap3A_122 {strides = array<i32>} : memref<128x128xf32, #tpu.memory_space<vmem>>, vector<1x16xf32>,
      %mul3A_123 = arith.constant 5.000000e-03 : f32
      %mul3A_124 = vector.broadcast %mul3A_123 : f32 to vector<16xf32>
      %mul3A_125 = arith.mulf %scan3A_114#1, %mul3A_124 : vector<16xf32>
      %swap3A_126 = arith.index_cast %add3A_75 : i32 to index
      %swap3A_127 = arith.constant 16 : index
      %swap3A_128 = tpu.vector_load %arg13[%swap3A_126, %swap3A_127] {strides = array<i32>} : memref<128x128xf32, #tpu.memory_space<vmem>>, vector<1x16xf32>,
      %swap3A_129 = vector.shape_cast %swap3A_128 : vector<1x16xf32> to vector<16xf32>
      %swap3A_130 = vector.shape_cast %mul3A_125 : vector<16xf32> to vector<1x16xf32>
      tpu.vector_store %arg13[%swap3A_126, %swap3A_127], %swap3A_130 {strides = array<i32>} : memref<128x128xf32, #tpu.memory_space<vmem>>, vector<1x16xf32>,
      %mul3A_131 = arith.constant 5.000000e-03 : f32
      %mul3A_132 = vector.broadcast %mul3A_131 : f32 to vector<16xf32>
      %mul3A_133 = arith.mulf %scan3A_114#2, %mul3A_132 : vector<16xf32>
      %swap3A_134 = arith.index_cast %add3A_75 : i32 to index
      %swap3A_135 = arith.constant 32 : index
      %swap3A_136 = tpu.vector_load %arg13[%swap3A_134, %swap3A_135] {strides = array<i32>} : memref<128x128xf32, #tpu.memory_space<vmem>>, vector<1x16xf32>,
      %swap3A_137 = vector.shape_cast %swap3A_136 : vector<1x16xf32> to vector<16xf32>
      %swap3A_138 = vector.shape_cast %mul3A_133 : vector<16xf32> to vector<1x16xf32>
      tpu.vector_store %arg13[%swap3A_134, %swap3A_135], %swap3A_138 {strides = array<i32>} : memref<128x128xf32, #tpu.memory_space<vmem>>, vector<1x16xf32>,
      %mul3A_139 = arith.constant 5.000000e-03 : f32
      %mul3A_140 = vector.broadcast %mul3A_139 : f32 to vector<16xf32>
      %mul3A_141 = arith.mulf %scan3A_114#3, %mul3A_140 : vector<16xf32>
      %swap3A_142 = arith.index_cast %add3A_75 : i32 to index
      %swap3A_143 = arith.constant 48 : index
      %swap3A_144 = tpu.vector_load %arg13[%swap3A_142, %swap3A_143] {strides = array<i32>} : memref<128x128xf32, #tpu.memory_space<vmem>>, vector<1x16xf32>,
      %swap3A_145 = vector.shape_cast %swap3A_144 : vector<1x16xf32> to vector<16xf32>
      %swap3A_146 = vector.shape_cast %mul3A_141 : vector<16xf32> to vector<1x16xf32>
      tpu.vector_store %arg13[%swap3A_142, %swap3A_143], %swap3A_146 {strides = array<i32>} : memref<128x128xf32, #tpu.memory_space<vmem>>, vector<1x16xf32>,
      %mul3A_147 = arith.constant 5.000000e-03 : f32
      %mul3A_148 = vector.broadcast %mul3A_147 : f32 to vector<16xf32>
      %mul3A_149 = arith.mulf %scan3A_114#4, %mul3A_148 : vector<16xf32>
      %swap3A_150 = arith.index_cast %add3A_75 : i32 to index
      %swap3A_151 = arith.constant 64 : index
      %swap3A_152 = tpu.vector_load %arg13[%swap3A_150, %swap3A_151] {strides = array<i32>} : memref<128x128xf32, #tpu.memory_space<vmem>>, vector<1x16xf32>,
      %swap3A_153 = vector.shape_cast %swap3A_152 : vector<1x16xf32> to vector<16xf32>
      %swap3A_154 = vector.shape_cast %mul3A_149 : vector<16xf32> to vector<1x16xf32>
      tpu.vector_store %arg13[%swap3A_150, %swap3A_151], %swap3A_154 {strides = array<i32>} : memref<128x128xf32, #tpu.memory_space<vmem>>, vector<1x16xf32>,
      %mul3A_155 = arith.constant 5.000000e-03 : f32
      %mul3A_156 = vector.broadcast %mul3A_155 : f32 to vector<16xf32>
      %mul3A_157 = arith.mulf %scan3A_114#5, %mul3A_156 : vector<16xf32>
      %swap3A_158 = arith.index_cast %add3A_75 : i32 to index
      %swap3A_159 = arith.constant 80 : index
      %swap3A_160 = tpu.vector_load %arg13[%swap3A_158, %swap3A_159] {strides = array<i32>} : memref<128x128xf32, #tpu.memory_space<vmem>>, vector<1x16xf32>,
      %swap3A_161 = vector.shape_cast %swap3A_160 : vector<1x16xf32> to vector<16xf32>
      %swap3A_162 = vector.shape_cast %mul3A_157 : vector<16xf32> to vector<1x16xf32>
      tpu.vector_store %arg13[%swap3A_158, %swap3A_159], %swap3A_162 {strides = array<i32>} : memref<128x128xf32, #tpu.memory_space<vmem>>, vector<1x16xf32>,
      %mul3A_163 = arith.constant 5.000000e-03 : f32
      %mul3A_164 = vector.broadcast %mul3A_163 : f32 to vector<16xf32>
      %mul3A_165 = arith.mulf %scan3A_114#6, %mul3A_164 : vector<16xf32>
      %swap3A_166 = arith.index_cast %add3A_75 : i32 to index
      %swap3A_167 = arith.constant 96 : index
      %swap3A_168 = tpu.vector_load %arg13[%swap3A_166, %swap3A_167] {strides = array<i32>} : memref<128x128xf32, #tpu.memory_space<vmem>>, vector<1x16xf32>,
      %swap3A_169 = vector.shape_cast %swap3A_168 : vector<1x16xf32> to vector<16xf32>
      %swap3A_170 = vector.shape_cast %mul3A_165 : vector<16xf32> to vector<1x16xf32>
      tpu.vector_store %arg13[%swap3A_166, %swap3A_167], %swap3A_170 {strides = array<i32>} : memref<128x128xf32, #tpu.memory_space<vmem>>, vector<1x16xf32>,
      %mul3A_171 = arith.constant 5.000000e-03 : f32
      %mul3A_172 = vector.broadcast %mul3A_171 : f32 to vector<16xf32>
      %mul3A_173 = arith.mulf %scan3A_114#7, %mul3A_172 : vector<16xf32>
      %swap3A_174 = arith.index_cast %add3A_75 : i32 to index
      %swap3A_175 = arith.constant 112 : index
      %swap3A_176 = tpu.vector_load %arg13[%swap3A_174, %swap3A_175] {strides = array<i32>} : memref<128x128xf32, #tpu.memory_space<vmem>>, vector<1x16xf32>,
      %swap3A_177 = vector.shape_cast %swap3A_176 : vector<1x16xf32> to vector<16xf32>
      %swap3A_178 = vector.shape_cast %mul3A_173 : vector<16xf32> to vector<1x16xf32>
      tpu.vector_store %arg13[%swap3A_174, %swap3A_175], %swap3A_178 {strides = array<i32>} : memref<128x128xf32, #tpu.memory_space<vmem>>, vector<1x16xf32>,
      %mul3A_179 = arith.constant 4 : i32
      %mul3A_180 = arith.muli %scan3A_71, %mul3A_179 : i32
      %add3A_181 = arith.constant 1 : i32
      %add3A_182 = arith.addi %mul3A_180, %add3A_181 : i32
      %dma_wait3A_183 = arith.constant 0 : i32
      %dma_wait3A_184 = arith.constant 0 : i32
      %dma_wait3A_185 = tpu.memref_slice %arg6[%dma_wait3A_183, %dma_wait3A_184] : memref<1x200xi32, #tpu.memory_space<vmem>> -> memref<1x200xi32, #tpu.memory_space<vmem>>
      %dma_wait3A_186 = tpu.memref_squeeze %dma_wait3A_185 : memref<1x200xi32, #tpu.memory_space<vmem>> -> memref<200xi32, #tpu.memory_space<vmem>>
      %dma_wait3A_187 = arith.constant 0 : i32
      %dma_wait3A_188 = arith.constant 0 : i32
      %dma_wait3A_189 = tpu.memref_slice %arg3[%dma_wait3A_187, %dma_wait3A_188] : memref<100000x128xf32, #tpu.memory_space<hbm>> -> memref<100000x128xf32, #tpu.memory_space<hbm>>
      tpu.wait_indirect_dma semaphore(%arg19 : memref<!tpu.dma_semaphore, #tpu.memory_space<semaphore_mem>>) src(%dma_wait3A_189 : memref<100000x128xf32, #tpu.memory_space<hbm>>) dst(%arg10 : memref<200x128xf32, #tpu.memory_space<vmem>>)
      %add3A_190 = arith.constant 4 : i32
      %add3A_191 = arith.addi %add3A_182, %add3A_190 : i32
      %lt3A_192 = arith.constant 128 : i32
      %lt3A_193 = arith.cmpi slt, %add3A_191, %lt3A_192 : i32
      %convert_element_type3A_194 = arith.extui %lt3A_193 : i1 to i32
      %cond3A_195 = arith.constant 0 : i32
      %cond3A_196 = arith.cmpi ne, %convert_element_type3A_194, %cond3A_195 : i32
      scf.if %cond3A_196 {
        %add3A_518 = arith.constant 4 : i32
        %add3A_519 = arith.addi %add3A_182, %add3A_518 : i32
        %mul3A_520 = arith.constant 1 : i32
        %mul3A_521 = arith.muli %add3A_519, %mul3A_520 : i32
        %add3A_522 = arith.addi %add3A_4, %mul3A_521 : i32
        %dma_start3A_523 = arith.constant 0 : i32
        %dma_start3A_524 = tpu.memref_slice %arg2[%add3A_522, %dma_start3A_523] : memref<4096x200xi32, #tpu.memory_space<hbm>> -> memref<1x200xi32, #tpu.memory_space<hbm>>
        %dma_start3A_525 = arith.constant 0 : i32
        %dma_start3A_526 = tpu.memref_slice %arg2[%add3A_522, %dma_start3A_525] : memref<4096x200xi32, #tpu.memory_space<hbm>> -> memref<1x200xi32, #tpu.memory_space<hbm>>
        tpu.enqueue_dma source(%dma_start3A_526 : memref<1x200xi32, #tpu.memory_space<hbm>>) target(%arg6 : memref<1x200xi32, #tpu.memory_space<vmem>>) target_semaphore(%arg15 : memref<!tpu.dma_semaphore, #tpu.memory_space<semaphore_mem>>)
      } else {
      }
      %add3A_197 = arith.constant 4 : i32
      %add3A_198 = arith.addi %add3A_182, %add3A_197 : i32
      %sub3A_199 = arith.constant 1 : i32
      %sub3A_200 = arith.subi %add3A_198, %sub3A_199 : i32
      %lt3A_201 = arith.constant 128 : i32
      %lt3A_202 = arith.cmpi slt, %sub3A_200, %lt3A_201 : i32
      %convert_element_type3A_203 = arith.extui %lt3A_202 : i1 to i32
      %cond3A_204 = arith.constant 0 : i32
      %cond3A_205 = arith.cmpi ne, %convert_element_type3A_203, %cond3A_204 : i32
      scf.if %cond3A_205 {
        %add3A_518 = arith.constant 4 : i32
        %add3A_519 = arith.addi %add3A_182, %add3A_518 : i32
        %sub3A_520 = arith.constant 1 : i32
        %sub3A_521 = arith.subi %add3A_519, %sub3A_520 : i32
        %mul3A_522 = arith.constant 1 : i32
        %mul3A_523 = arith.muli %sub3A_521, %mul3A_522 : i32
        %add3A_524 = arith.addi %add3A_4, %mul3A_523 : i32
        %dma_wait3A_525 = arith.constant 0 : i32
        %dma_wait3A_526 = tpu.memref_slice %arg2[%add3A_524, %dma_wait3A_525] : memref<4096x200xi32, #tpu.memory_space<hbm>> -> memref<1x200xi32, #tpu.memory_space<hbm>>
        %dma_wait3A_527 = arith.constant 0 : i32
        %dma_wait3A_528 = tpu.memref_slice %arg2[%add3A_524, %dma_wait3A_527] : memref<4096x200xi32, #tpu.memory_space<hbm>> -> memref<1x200xi32, #tpu.memory_space<hbm>>
        tpu.wait_dma2 semaphore(%arg14 : memref<!tpu.dma_semaphore, #tpu.memory_space<semaphore_mem>>) src(%dma_wait3A_528 : memref<1x200xi32, #tpu.memory_space<hbm>>) dst(%arg5 : memref<1x200xi32, #tpu.memory_space<vmem>>)
        %dma_start3A_529 = arith.constant 0 : i32
        %dma_start3A_530 = arith.constant 0 : i32
        %dma_start3A_531 = tpu.memref_slice %arg5[%dma_start3A_529, %dma_start3A_530] : memref<1x200xi32, #tpu.memory_space<vmem>> -> memref<1x200xi32, #tpu.memory_space<vmem>>
        %dma_start3A_532 = tpu.memref_squeeze %dma_start3A_531 : memref<1x200xi32, #tpu.memory_space<vmem>> -> memref<200xi32, #tpu.memory_space<vmem>>
        %dma_start3A_533 = arith.constant 0 : i32
        %dma_start3A_534 = arith.constant 0 : i32
        %dma_start3A_535 = tpu.memref_slice %arg3[%dma_start3A_533, %dma_start3A_534] : memref<100000x128xf32, #tpu.memory_space<hbm>> -> memref<100000x128xf32, #tpu.memory_space<hbm>>
        tpu.enqueue_indirect_dma source(%dma_start3A_535 : memref<100000x128xf32, #tpu.memory_space<hbm>>) target(%arg9 : memref<200x128xf32, #tpu.memory_space<vmem>>) offsets(%dma_start3A_532 : memref<200xi32, #tpu.memory_space<vmem>>) semaphore(%arg18 : memref<!tpu.dma_semaphore, #tpu.memory_space<semaphore_mem>>)
      } else {
      }
      %broadcast_in_dim3A_206 = arith.constant 0.000000e+00 : f32
      %broadcast_in_dim3A_207 = vector.broadcast %broadcast_in_dim3A_206 : f32 to vector<16xf32>
      %broadcast_in_dim3A_208 = arith.constant 0.000000e+00 : f32
      %broadcast_in_dim3A_209 = vector.broadcast %broadcast_in_dim3A_208 : f32 to vector<16xf32>
      %broadcast_in_dim3A_210 = arith.constant 0.000000e+00 : f32
      %broadcast_in_dim3A_211 = vector.broadcast %broadcast_in_dim3A_210 : f32 to vector<16xf32>
      %broadcast_in_dim3A_212 = arith.constant 0.000000e+00 : f32
      %broadcast_in_dim3A_213 = vector.broadcast %broadcast_in_dim3A_212 : f32 to vector<16xf32>
      %broadcast_in_dim3A_214 = arith.constant 0.000000e+00 : f32
      %broadcast_in_dim3A_215 = vector.broadcast %broadcast_in_dim3A_214 : f32 to vector<16xf32>
      %broadcast_in_dim3A_216 = arith.constant 0.000000e+00 : f32
      %broadcast_in_dim3A_217 = vector.broadcast %broadcast_in_dim3A_216 : f32 to vector<16xf32>
      %broadcast_in_dim3A_218 = arith.constant 0.000000e+00 : f32
      %broadcast_in_dim3A_219 = vector.broadcast %broadcast_in_dim3A_218 : f32 to vector<16xf32>
      %broadcast_in_dim3A_220 = arith.constant 0.000000e+00 : f32
      %broadcast_in_dim3A_221 = vector.broadcast %broadcast_in_dim3A_220 : f32 to vector<16xf32>
      %scan3A_222 = arith.constant 0 : i32
      %scan3A_223 = arith.constant 100 : i32
      %scan3A_224 = arith.addi %scan3A_222, %scan3A_223 : i32
      %scan3A_225 = arith.constant 1 : i32
      %scan3A_226:8 = scf.for %scan3A_518 = %scan3A_222 to %scan3A_224 step %scan3A_225 iter_args(%scan3A_519 = %broadcast_in_dim3A_207, %scan3A_520 = %broadcast_in_dim3A_209, %scan3A_521 = %broadcast_in_dim3A_211, %scan3A_522 = %broadcast_in_dim3A_213, %scan3A_523 = %broadcast_in_dim3A_215, %scan3A_524 = %broadcast_in_dim3A_217, %scan3A_525 = %broadcast_in_dim3A_219, %scan3A_526 = %broadcast_in_dim3A_221) -> (vector<16xf32>, vector<16xf32>, vector<16xf32>, vector<16xf32>, vector<16xf32>, vector<16xf32>, vector<16xf32>, vector<16xf32>)  : i32 {
        %mul3A_527 = arith.constant 2 : i32
        %mul3A_528 = arith.muli %scan3A_518, %mul3A_527 : i32
        %add3A_529 = arith.constant 1 : i32
        %add3A_530 = arith.addi %mul3A_528, %add3A_529 : i32
        %get3A = arith.index_cast %mul3A_528 : i32 to index
        %get3A_531 = arith.constant 0 : index
        %get3A_532 = tpu.vector_load %arg10[%get3A, %get3A_531] {strides = array<i32>} : memref<200x128xf32, #tpu.memory_space<vmem>>, vector<1x16xf32>,
        %get3A_533 = vector.shape_cast %get3A_532 : vector<1x16xf32> to vector<16xf32>
        %add3A_534 = arith.addf %scan3A_519, %get3A_533 : vector<16xf32>
        %get3A_535 = arith.index_cast %mul3A_528 : i32 to index
        %get3A_536 = arith.constant 16 : index
        %get3A_537 = tpu.vector_load %arg10[%get3A_535, %get3A_536] {strides = array<i32>} : memref<200x128xf32, #tpu.memory_space<vmem>>, vector<1x16xf32>,
        %get3A_538 = vector.shape_cast %get3A_537 : vector<1x16xf32> to vector<16xf32>
        %add3A_539 = arith.addf %scan3A_520, %get3A_538 : vector<16xf32>
        %get3A_540 = arith.index_cast %mul3A_528 : i32 to index
        %get3A_541 = arith.constant 32 : index
        %get3A_542 = tpu.vector_load %arg10[%get3A_540, %get3A_541] {strides = array<i32>} : memref<200x128xf32, #tpu.memory_space<vmem>>, vector<1x16xf32>,
        %get3A_543 = vector.shape_cast %get3A_542 : vector<1x16xf32> to vector<16xf32>
        %add3A_544 = arith.addf %scan3A_521, %get3A_543 : vector<16xf32>
        %get3A_545 = arith.index_cast %mul3A_528 : i32 to index
        %get3A_546 = arith.constant 48 : index
        %get3A_547 = tpu.vector_load %arg10[%get3A_545, %get3A_546] {strides = array<i32>} : memref<200x128xf32, #tpu.memory_space<vmem>>, vector<1x16xf32>,
        %get3A_548 = vector.shape_cast %get3A_547 : vector<1x16xf32> to vector<16xf32>
        %add3A_549 = arith.addf %scan3A_522, %get3A_548 : vector<16xf32>
        %get3A_550 = arith.index_cast %mul3A_528 : i32 to index
        %get3A_551 = arith.constant 64 : index
        %get3A_552 = tpu.vector_load %arg10[%get3A_550, %get3A_551] {strides = array<i32>} : memref<200x128xf32, #tpu.memory_space<vmem>>, vector<1x16xf32>,
        %get3A_553 = vector.shape_cast %get3A_552 : vector<1x16xf32> to vector<16xf32>
        %add3A_554 = arith.addf %scan3A_523, %get3A_553 : vector<16xf32>
        %get3A_555 = arith.index_cast %mul3A_528 : i32 to index
        %get3A_556 = arith.constant 80 : index
        %get3A_557 = tpu.vector_load %arg10[%get3A_555, %get3A_556] {strides = array<i32>} : memref<200x128xf32, #tpu.memory_space<vmem>>, vector<1x16xf32>,
        %get3A_558 = vector.shape_cast %get3A_557 : vector<1x16xf32> to vector<16xf32>
        %add3A_559 = arith.addf %scan3A_524, %get3A_558 : vector<16xf32>
        %get3A_560 = arith.index_cast %mul3A_528 : i32 to index
        %get3A_561 = arith.constant 96 : index
        %get3A_562 = tpu.vector_load %arg10[%get3A_560, %get3A_561] {strides = array<i32>} : memref<200x128xf32, #tpu.memory_space<vmem>>, vector<1x16xf32>,
        %get3A_563 = vector.shape_cast %get3A_562 : vector<1x16xf32> to vector<16xf32>
        %add3A_564 = arith.addf %scan3A_525, %get3A_563 : vector<16xf32>
        %get3A_565 = arith.index_cast %mul3A_528 : i32 to index
        %get3A_566 = arith.constant 112 : index
        %get3A_567 = tpu.vector_load %arg10[%get3A_565, %get3A_566] {strides = array<i32>} : memref<200x128xf32, #tpu.memory_space<vmem>>, vector<1x16xf32>,
        %get3A_568 = vector.shape_cast %get3A_567 : vector<1x16xf32> to vector<16xf32>
        %add3A_569 = arith.addf %scan3A_526, %get3A_568 : vector<16xf32>
        %get3A_570 = arith.index_cast %add3A_530 : i32 to index
        %get3A_571 = arith.constant 0 : index
        %get3A_572 = tpu.vector_load %arg10[%get3A_570, %get3A_571] {strides = array<i32>} : memref<200x128xf32, #tpu.memory_space<vmem>>, vector<1x16xf32>,
        %get3A_573 = vector.shape_cast %get3A_572 : vector<1x16xf32> to vector<16xf32>
        %add3A_574 = arith.addf %add3A_534, %get3A_573 : vector<16xf32>
        %get3A_575 = arith.index_cast %add3A_530 : i32 to index
        %get3A_576 = arith.constant 16 : index
        %get3A_577 = tpu.vector_load %arg10[%get3A_575, %get3A_576] {strides = array<i32>} : memref<200x128xf32, #tpu.memory_space<vmem>>, vector<1x16xf32>,
        %get3A_578 = vector.shape_cast %get3A_577 : vector<1x16xf32> to vector<16xf32>
        %add3A_579 = arith.addf %add3A_539, %get3A_578 : vector<16xf32>
        %get3A_580 = arith.index_cast %add3A_530 : i32 to index
        %get3A_581 = arith.constant 32 : index
        %get3A_582 = tpu.vector_load %arg10[%get3A_580, %get3A_581] {strides = array<i32>} : memref<200x128xf32, #tpu.memory_space<vmem>>, vector<1x16xf32>,
        %get3A_583 = vector.shape_cast %get3A_582 : vector<1x16xf32> to vector<16xf32>
        %add3A_584 = arith.addf %add3A_544, %get3A_583 : vector<16xf32>
        %get3A_585 = arith.index_cast %add3A_530 : i32 to index
        %get3A_586 = arith.constant 48 : index
        %get3A_587 = tpu.vector_load %arg10[%get3A_585, %get3A_586] {strides = array<i32>} : memref<200x128xf32, #tpu.memory_space<vmem>>, vector<1x16xf32>,
        %get3A_588 = vector.shape_cast %get3A_587 : vector<1x16xf32> to vector<16xf32>
        %add3A_589 = arith.addf %add3A_549, %get3A_588 : vector<16xf32>
        %get3A_590 = arith.index_cast %add3A_530 : i32 to index
        %get3A_591 = arith.constant 64 : index
        %get3A_592 = tpu.vector_load %arg10[%get3A_590, %get3A_591] {strides = array<i32>} : memref<200x128xf32, #tpu.memory_space<vmem>>, vector<1x16xf32>,
        %get3A_593 = vector.shape_cast %get3A_592 : vector<1x16xf32> to vector<16xf32>
        %add3A_594 = arith.addf %add3A_554, %get3A_593 : vector<16xf32>
        %get3A_595 = arith.index_cast %add3A_530 : i32 to index
        %get3A_596 = arith.constant 80 : index
        %get3A_597 = tpu.vector_load %arg10[%get3A_595, %get3A_596] {strides = array<i32>} : memref<200x128xf32, #tpu.memory_space<vmem>>, vector<1x16xf32>,
        %get3A_598 = vector.shape_cast %get3A_597 : vector<1x16xf32> to vector<16xf32>
        %add3A_599 = arith.addf %add3A_559, %get3A_598 : vector<16xf32>
        %get3A_600 = arith.index_cast %add3A_530 : i32 to index
        %get3A_601 = arith.constant 96 : index
        %get3A_602 = tpu.vector_load %arg10[%get3A_600, %get3A_601] {strides = array<i32>} : memref<200x128xf32, #tpu.memory_space<vmem>>, vector<1x16xf32>,
        %get3A_603 = vector.shape_cast %get3A_602 : vector<1x16xf32> to vector<16xf32>
        %add3A_604 = arith.addf %add3A_564, %get3A_603 : vector<16xf32>
        %get3A_605 = arith.index_cast %add3A_530 : i32 to index
        %get3A_606 = arith.constant 112 : index
        %get3A_607 = tpu.vector_load %arg10[%get3A_605, %get3A_606] {strides = array<i32>} : memref<200x128xf32, #tpu.memory_space<vmem>>, vector<1x16xf32>,
        %get3A_608 = vector.shape_cast %get3A_607 : vector<1x16xf32> to vector<16xf32>
        %add3A_609 = arith.addf %add3A_569, %get3A_608 : vector<16xf32>
        scf.yield %add3A_574, %add3A_579, %add3A_584, %add3A_589, %add3A_594, %add3A_599, %add3A_604, %add3A_609 : vector<16xf32>, vector<16xf32>, vector<16xf32>, vector<16xf32>, vector<16xf32>, vector<16xf32>, vector<16xf32>, vector<16xf32>
      }
      %scan3A_227 = arith.constant 100 : i32
      %mul3A_228 = arith.constant 5.000000e-03 : f32
      %mul3A_229 = vector.broadcast %mul3A_228 : f32 to vector<16xf32>
      %mul3A_230 = arith.mulf %scan3A_226#0, %mul3A_229 : vector<16xf32>
      %swap3A_231 = arith.index_cast %add3A_182 : i32 to index
      %swap3A_232 = arith.constant 0 : index
      %swap3A_233 = tpu.vector_load %arg13[%swap3A_231, %swap3A_232] {strides = array<i32>} : memref<128x128xf32, #tpu.memory_space<vmem>>, vector<1x16xf32>,
      %swap3A_234 = vector.shape_cast %swap3A_233 : vector<1x16xf32> to vector<16xf32>
      %swap3A_235 = vector.shape_cast %mul3A_230 : vector<16xf32> to vector<1x16xf32>
      tpu.vector_store %arg13[%swap3A_231, %swap3A_232], %swap3A_235 {strides = array<i32>} : memref<128x128xf32, #tpu.memory_space<vmem>>, vector<1x16xf32>,
      %mul3A_236 = arith.constant 5.000000e-03 : f32
      %mul3A_237 = vector.broadcast %mul3A_236 : f32 to vector<16xf32>
      %mul3A_238 = arith.mulf %scan3A_226#1, %mul3A_237 : vector<16xf32>
      %swap3A_239 = arith.index_cast %add3A_182 : i32 to index
      %swap3A_240 = arith.constant 16 : index
      %swap3A_241 = tpu.vector_load %arg13[%swap3A_239, %swap3A_240] {strides = array<i32>} : memref<128x128xf32, #tpu.memory_space<vmem>>, vector<1x16xf32>,
      %swap3A_242 = vector.shape_cast %swap3A_241 : vector<1x16xf32> to vector<16xf32>
      %swap3A_243 = vector.shape_cast %mul3A_238 : vector<16xf32> to vector<1x16xf32>
      tpu.vector_store %arg13[%swap3A_239, %swap3A_240], %swap3A_243 {strides = array<i32>} : memref<128x128xf32, #tpu.memory_space<vmem>>, vector<1x16xf32>,
      %mul3A_244 = arith.constant 5.000000e-03 : f32
      %mul3A_245 = vector.broadcast %mul3A_244 : f32 to vector<16xf32>
      %mul3A_246 = arith.mulf %scan3A_226#2, %mul3A_245 : vector<16xf32>
      %swap3A_247 = arith.index_cast %add3A_182 : i32 to index
      %swap3A_248 = arith.constant 32 : index
      %swap3A_249 = tpu.vector_load %arg13[%swap3A_247, %swap3A_248] {strides = array<i32>} : memref<128x128xf32, #tpu.memory_space<vmem>>, vector<1x16xf32>,
      %swap3A_250 = vector.shape_cast %swap3A_249 : vector<1x16xf32> to vector<16xf32>
      %swap3A_251 = vector.shape_cast %mul3A_246 : vector<16xf32> to vector<1x16xf32>
      tpu.vector_store %arg13[%swap3A_247, %swap3A_248], %swap3A_251 {strides = array<i32>} : memref<128x128xf32, #tpu.memory_space<vmem>>, vector<1x16xf32>,
      %mul3A_252 = arith.constant 5.000000e-03 : f32
      %mul3A_253 = vector.broadcast %mul3A_252 : f32 to vector<16xf32>
      %mul3A_254 = arith.mulf %scan3A_226#3, %mul3A_253 : vector<16xf32>
      %swap3A_255 = arith.index_cast %add3A_182 : i32 to index
      %swap3A_256 = arith.constant 48 : index
      %swap3A_257 = tpu.vector_load %arg13[%swap3A_255, %swap3A_256] {strides = array<i32>} : memref<128x128xf32, #tpu.memory_space<vmem>>, vector<1x16xf32>,
      %swap3A_258 = vector.shape_cast %swap3A_257 : vector<1x16xf32> to vector<16xf32>
      %swap3A_259 = vector.shape_cast %mul3A_254 : vector<16xf32> to vector<1x16xf32>
      tpu.vector_store %arg13[%swap3A_255, %swap3A_256], %swap3A_259 {strides = array<i32>} : memref<128x128xf32, #tpu.memory_space<vmem>>, vector<1x16xf32>,
      %mul3A_260 = arith.constant 5.000000e-03 : f32
      %mul3A_261 = vector.broadcast %mul3A_260 : f32 to vector<16xf32>
      %mul3A_262 = arith.mulf %scan3A_226#4, %mul3A_261 : vector<16xf32>
      %swap3A_263 = arith.index_cast %add3A_182 : i32 to index
      %swap3A_264 = arith.constant 64 : index
      %swap3A_265 = tpu.vector_load %arg13[%swap3A_263, %swap3A_264] {strides = array<i32>} : memref<128x128xf32, #tpu.memory_space<vmem>>, vector<1x16xf32>,
      %swap3A_266 = vector.shape_cast %swap3A_265 : vector<1x16xf32> to vector<16xf32>
      %swap3A_267 = vector.shape_cast %mul3A_262 : vector<16xf32> to vector<1x16xf32>
      tpu.vector_store %arg13[%swap3A_263, %swap3A_264], %swap3A_267 {strides = array<i32>} : memref<128x128xf32, #tpu.memory_space<vmem>>, vector<1x16xf32>,
      %mul3A_268 = arith.constant 5.000000e-03 : f32
      %mul3A_269 = vector.broadcast %mul3A_268 : f32 to vector<16xf32>
      %mul3A_270 = arith.mulf %scan3A_226#5, %mul3A_269 : vector<16xf32>
      %swap3A_271 = arith.index_cast %add3A_182 : i32 to index
      %swap3A_272 = arith.constant 80 : index
      %swap3A_273 = tpu.vector_load %arg13[%swap3A_271, %swap3A_272] {strides = array<i32>} : memref<128x128xf32, #tpu.memory_space<vmem>>, vector<1x16xf32>,
      %swap3A_274 = vector.shape_cast %swap3A_273 : vector<1x16xf32> to vector<16xf32>
      %swap3A_275 = vector.shape_cast %mul3A_270 : vector<16xf32> to vector<1x16xf32>
      tpu.vector_store %arg13[%swap3A_271, %swap3A_272], %swap3A_275 {strides = array<i32>} : memref<128x128xf32, #tpu.memory_space<vmem>>, vector<1x16xf32>,
      %mul3A_276 = arith.constant 5.000000e-03 : f32
      %mul3A_277 = vector.broadcast %mul3A_276 : f32 to vector<16xf32>
      %mul3A_278 = arith.mulf %scan3A_226#6, %mul3A_277 : vector<16xf32>
      %swap3A_279 = arith.index_cast %add3A_182 : i32 to index
      %swap3A_280 = arith.constant 96 : index
      %swap3A_281 = tpu.vector_load %arg13[%swap3A_279, %swap3A_280] {strides = array<i32>} : memref<128x128xf32, #tpu.memory_space<vmem>>, vector<1x16xf32>,
      %swap3A_282 = vector.shape_cast %swap3A_281 : vector<1x16xf32> to vector<16xf32>
      %swap3A_283 = vector.shape_cast %mul3A_278 : vector<16xf32> to vector<1x16xf32>
      tpu.vector_store %arg13[%swap3A_279, %swap3A_280], %swap3A_283 {strides = array<i32>} : memref<128x128xf32, #tpu.memory_space<vmem>>, vector<1x16xf32>,
      %mul3A_284 = arith.constant 5.000000e-03 : f32
      %mul3A_285 = vector.broadcast %mul3A_284 : f32 to vector<16xf32>
      %mul3A_286 = arith.mulf %scan3A_226#7, %mul3A_285 : vector<16xf32>
      %swap3A_287 = arith.index_cast %add3A_182 : i32 to index
      %swap3A_288 = arith.constant 112 : index
      %swap3A_289 = tpu.vector_load %arg13[%swap3A_287, %swap3A_288] {strides = array<i32>} : memref<128x128xf32, #tpu.memory_space<vmem>>, vector<1x16xf32>,
      %swap3A_290 = vector.shape_cast %swap3A_289 : vector<1x16xf32> to vector<16xf32>
      %swap3A_291 = vector.shape_cast %mul3A_286 : vector<16xf32> to vector<1x16xf32>
      tpu.vector_store %arg13[%swap3A_287, %swap3A_288], %swap3A_291 {strides = array<i32>} : memref<128x128xf32, #tpu.memory_space<vmem>>, vector<1x16xf32>,
      %mul3A_292 = arith.constant 4 : i32
      %mul3A_293 = arith.muli %scan3A_71, %mul3A_292 : i32
      %add3A_294 = arith.constant 2 : i32
      %add3A_295 = arith.addi %mul3A_293, %add3A_294 : i32
      %dma_wait3A_296 = arith.constant 0 : i32
      %dma_wait3A_297 = arith.constant 0 : i32
      %dma_wait3A_298 = tpu.memref_slice %arg7[%dma_wait3A_296, %dma_wait3A_297] : memref<1x200xi32, #tpu.memory_space<vmem>> -> memref<1x200xi32, #tpu.memory_space<vmem>>
      %dma_wait3A_299 = tpu.memref_squeeze %dma_wait3A_298 : memref<1x200xi32, #tpu.memory_space<vmem>> -> memref<200xi32, #tpu.memory_space<vmem>>
      %dma_wait3A_300 = arith.constant 0 : i32
      %dma_wait3A_301 = arith.constant 0 : i32
      %dma_wait3A_302 = tpu.memref_slice %arg3[%dma_wait3A_300, %dma_wait3A_301] : memref<100000x128xf32, #tpu.memory_space<hbm>> -> memref<100000x128xf32, #tpu.memory_space<hbm>>
      tpu.wait_indirect_dma semaphore(%arg20 : memref<!tpu.dma_semaphore, #tpu.memory_space<semaphore_mem>>) src(%dma_wait3A_302 : memref<100000x128xf32, #tpu.memory_space<hbm>>) dst(%arg11 : memref<200x128xf32, #tpu.memory_space<vmem>>)
      %add3A_303 = arith.constant 4 : i32
      %add3A_304 = arith.addi %add3A_295, %add3A_303 : i32
      %lt3A_305 = arith.constant 128 : i32
      %lt3A_306 = arith.cmpi slt, %add3A_304, %lt3A_305 : i32
      %convert_element_type3A_307 = arith.extui %lt3A_306 : i1 to i32
      %cond3A_308 = arith.constant 0 : i32
      %cond3A_309 = arith.cmpi ne, %convert_element_type3A_307, %cond3A_308 : i32
      scf.if %cond3A_309 {
        %add3A_518 = arith.constant 4 : i32
        %add3A_519 = arith.addi %add3A_295, %add3A_518 : i32
        %mul3A_520 = arith.constant 1 : i32
        %mul3A_521 = arith.muli %add3A_519, %mul3A_520 : i32
        %add3A_522 = arith.addi %add3A_4, %mul3A_521 : i32
        %dma_start3A_523 = arith.constant 0 : i32
        %dma_start3A_524 = tpu.memref_slice %arg2[%add3A_522, %dma_start3A_523] : memref<4096x200xi32, #tpu.memory_space<hbm>> -> memref<1x200xi32, #tpu.memory_space<hbm>>
        %dma_start3A_525 = arith.constant 0 : i32
        %dma_start3A_526 = tpu.memref_slice %arg2[%add3A_522, %dma_start3A_525] : memref<4096x200xi32, #tpu.memory_space<hbm>> -> memref<1x200xi32, #tpu.memory_space<hbm>>
        tpu.enqueue_dma source(%dma_start3A_526 : memref<1x200xi32, #tpu.memory_space<hbm>>) target(%arg7 : memref<1x200xi32, #tpu.memory_space<vmem>>) target_semaphore(%arg16 : memref<!tpu.dma_semaphore, #tpu.memory_space<semaphore_mem>>)
      } else {
      }
      %add3A_310 = arith.constant 4 : i32
      %add3A_311 = arith.addi %add3A_295, %add3A_310 : i32
      %sub3A_312 = arith.constant 1 : i32
      %sub3A_313 = arith.subi %add3A_311, %sub3A_312 : i32
      %lt3A_314 = arith.constant 128 : i32
      %lt3A_315 = arith.cmpi slt, %sub3A_313, %lt3A_314 : i32
      %convert_element_type3A_316 = arith.extui %lt3A_315 : i1 to i32
      %cond3A_317 = arith.constant 0 : i32
      %cond3A_318 = arith.cmpi ne, %convert_element_type3A_316, %cond3A_317 : i32
      scf.if %cond3A_318 {
        %add3A_518 = arith.constant 4 : i32
        %add3A_519 = arith.addi %add3A_295, %add3A_518 : i32
        %sub3A_520 = arith.constant 1 : i32
        %sub3A_521 = arith.subi %add3A_519, %sub3A_520 : i32
        %mul3A_522 = arith.constant 1 : i32
        %mul3A_523 = arith.muli %sub3A_521, %mul3A_522 : i32
        %add3A_524 = arith.addi %add3A_4, %mul3A_523 : i32
        %dma_wait3A_525 = arith.constant 0 : i32
        %dma_wait3A_526 = tpu.memref_slice %arg2[%add3A_524, %dma_wait3A_525] : memref<4096x200xi32, #tpu.memory_space<hbm>> -> memref<1x200xi32, #tpu.memory_space<hbm>>
        %dma_wait3A_527 = arith.constant 0 : i32
        %dma_wait3A_528 = tpu.memref_slice %arg2[%add3A_524, %dma_wait3A_527] : memref<4096x200xi32, #tpu.memory_space<hbm>> -> memref<1x200xi32, #tpu.memory_space<hbm>>
        tpu.wait_dma2 semaphore(%arg15 : memref<!tpu.dma_semaphore, #tpu.memory_space<semaphore_mem>>) src(%dma_wait3A_528 : memref<1x200xi32, #tpu.memory_space<hbm>>) dst(%arg6 : memref<1x200xi32, #tpu.memory_space<vmem>>)
        %dma_start3A_529 = arith.constant 0 : i32
        %dma_start3A_530 = arith.constant 0 : i32
        %dma_start3A_531 = tpu.memref_slice %arg6[%dma_start3A_529, %dma_start3A_530] : memref<1x200xi32, #tpu.memory_space<vmem>> -> memref<1x200xi32, #tpu.memory_space<vmem>>
        %dma_start3A_532 = tpu.memref_squeeze %dma_start3A_531 : memref<1x200xi32, #tpu.memory_space<vmem>> -> memref<200xi32, #tpu.memory_space<vmem>>
        %dma_start3A_533 = arith.constant 0 : i32
        %dma_start3A_534 = arith.constant 0 : i32
        %dma_start3A_535 = tpu.memref_slice %arg3[%dma_start3A_533, %dma_start3A_534] : memref<100000x128xf32, #tpu.memory_space<hbm>> -> memref<100000x128xf32, #tpu.memory_space<hbm>>
        tpu.enqueue_indirect_dma source(%dma_start3A_535 : memref<100000x128xf32, #tpu.memory_space<hbm>>) target(%arg10 : memref<200x128xf32, #tpu.memory_space<vmem>>) offsets(%dma_start3A_532 : memref<200xi32, #tpu.memory_space<vmem>>) semaphore(%arg19 : memref<!tpu.dma_semaphore, #tpu.memory_space<semaphore_mem>>)
      } else {
      }
      %broadcast_in_dim3A_319 = arith.constant 0.000000e+00 : f32
      %broadcast_in_dim3A_320 = vector.broadcast %broadcast_in_dim3A_319 : f32 to vector<16xf32>
      %broadcast_in_dim3A_321 = arith.constant 0.000000e+00 : f32
      %broadcast_in_dim3A_322 = vector.broadcast %broadcast_in_dim3A_321 : f32 to vector<16xf32>
      %broadcast_in_dim3A_323 = arith.constant 0.000000e+00 : f32
      %broadcast_in_dim3A_324 = vector.broadcast %broadcast_in_dim3A_323 : f32 to vector<16xf32>
      %broadcast_in_dim3A_325 = arith.constant 0.000000e+00 : f32
      %broadcast_in_dim3A_326 = vector.broadcast %broadcast_in_dim3A_325 : f32 to vector<16xf32>
      %broadcast_in_dim3A_327 = arith.constant 0.000000e+00 : f32
      %broadcast_in_dim3A_328 = vector.broadcast %broadcast_in_dim3A_327 : f32 to vector<16xf32>
      %broadcast_in_dim3A_329 = arith.constant 0.000000e+00 : f32
      %broadcast_in_dim3A_330 = vector.broadcast %broadcast_in_dim3A_329 : f32 to vector<16xf32>
      %broadcast_in_dim3A_331 = arith.constant 0.000000e+00 : f32
      %broadcast_in_dim3A_332 = vector.broadcast %broadcast_in_dim3A_331 : f32 to vector<16xf32>
      %broadcast_in_dim3A_333 = arith.constant 0.000000e+00 : f32
      %broadcast_in_dim3A_334 = vector.broadcast %broadcast_in_dim3A_333 : f32 to vector<16xf32>
      %scan3A_335 = arith.constant 0 : i32
      %scan3A_336 = arith.constant 100 : i32
      %scan3A_337 = arith.addi %scan3A_335, %scan3A_336 : i32
      %scan3A_338 = arith.constant 1 : i32
      %scan3A_339:8 = scf.for %scan3A_518 = %scan3A_335 to %scan3A_337 step %scan3A_338 iter_args(%scan3A_519 = %broadcast_in_dim3A_320, %scan3A_520 = %broadcast_in_dim3A_322, %scan3A_521 = %broadcast_in_dim3A_324, %scan3A_522 = %broadcast_in_dim3A_326, %scan3A_523 = %broadcast_in_dim3A_328, %scan3A_524 = %broadcast_in_dim3A_330, %scan3A_525 = %broadcast_in_dim3A_332, %scan3A_526 = %broadcast_in_dim3A_334) -> (vector<16xf32>, vector<16xf32>, vector<16xf32>, vector<16xf32>, vector<16xf32>, vector<16xf32>, vector<16xf32>, vector<16xf32>)  : i32 {
        %mul3A_527 = arith.constant 2 : i32
        %mul3A_528 = arith.muli %scan3A_518, %mul3A_527 : i32
        %add3A_529 = arith.constant 1 : i32
        %add3A_530 = arith.addi %mul3A_528, %add3A_529 : i32
        %get3A = arith.index_cast %mul3A_528 : i32 to index
        %get3A_531 = arith.constant 0 : index
        %get3A_532 = tpu.vector_load %arg11[%get3A, %get3A_531] {strides = array<i32>} : memref<200x128xf32, #tpu.memory_space<vmem>>, vector<1x16xf32>,
        %get3A_533 = vector.shape_cast %get3A_532 : vector<1x16xf32> to vector<16xf32>
        %add3A_534 = arith.addf %scan3A_519, %get3A_533 : vector<16xf32>
        %get3A_535 = arith.index_cast %mul3A_528 : i32 to index
        %get3A_536 = arith.constant 16 : index
        %get3A_537 = tpu.vector_load %arg11[%get3A_535, %get3A_536] {strides = array<i32>} : memref<200x128xf32, #tpu.memory_space<vmem>>, vector<1x16xf32>,
        %get3A_538 = vector.shape_cast %get3A_537 : vector<1x16xf32> to vector<16xf32>
        %add3A_539 = arith.addf %scan3A_520, %get3A_538 : vector<16xf32>
        %get3A_540 = arith.index_cast %mul3A_528 : i32 to index
        %get3A_541 = arith.constant 32 : index
        %get3A_542 = tpu.vector_load %arg11[%get3A_540, %get3A_541] {strides = array<i32>} : memref<200x128xf32, #tpu.memory_space<vmem>>, vector<1x16xf32>,
        %get3A_543 = vector.shape_cast %get3A_542 : vector<1x16xf32> to vector<16xf32>
        %add3A_544 = arith.addf %scan3A_521, %get3A_543 : vector<16xf32>
        %get3A_545 = arith.index_cast %mul3A_528 : i32 to index
        %get3A_546 = arith.constant 48 : index
        %get3A_547 = tpu.vector_load %arg11[%get3A_545, %get3A_546] {strides = array<i32>} : memref<200x128xf32, #tpu.memory_space<vmem>>, vector<1x16xf32>,
        %get3A_548 = vector.shape_cast %get3A_547 : vector<1x16xf32> to vector<16xf32>
        %add3A_549 = arith.addf %scan3A_522, %get3A_548 : vector<16xf32>
        %get3A_550 = arith.index_cast %mul3A_528 : i32 to index
        %get3A_551 = arith.constant 64 : index
        %get3A_552 = tpu.vector_load %arg11[%get3A_550, %get3A_551] {strides = array<i32>} : memref<200x128xf32, #tpu.memory_space<vmem>>, vector<1x16xf32>,
        %get3A_553 = vector.shape_cast %get3A_552 : vector<1x16xf32> to vector<16xf32>
        %add3A_554 = arith.addf %scan3A_523, %get3A_553 : vector<16xf32>
        %get3A_555 = arith.index_cast %mul3A_528 : i32 to index
        %get3A_556 = arith.constant 80 : index
        %get3A_557 = tpu.vector_load %arg11[%get3A_555, %get3A_556] {strides = array<i32>} : memref<200x128xf32, #tpu.memory_space<vmem>>, vector<1x16xf32>,
        %get3A_558 = vector.shape_cast %get3A_557 : vector<1x16xf32> to vector<16xf32>
        %add3A_559 = arith.addf %scan3A_524, %get3A_558 : vector<16xf32>
        %get3A_560 = arith.index_cast %mul3A_528 : i32 to index
        %get3A_561 = arith.constant 96 : index
        %get3A_562 = tpu.vector_load %arg11[%get3A_560, %get3A_561] {strides = array<i32>} : memref<200x128xf32, #tpu.memory_space<vmem>>, vector<1x16xf32>,
        %get3A_563 = vector.shape_cast %get3A_562 : vector<1x16xf32> to vector<16xf32>
        %add3A_564 = arith.addf %scan3A_525, %get3A_563 : vector<16xf32>
        %get3A_565 = arith.index_cast %mul3A_528 : i32 to index
        %get3A_566 = arith.constant 112 : index
        %get3A_567 = tpu.vector_load %arg11[%get3A_565, %get3A_566] {strides = array<i32>} : memref<200x128xf32, #tpu.memory_space<vmem>>, vector<1x16xf32>,
        %get3A_568 = vector.shape_cast %get3A_567 : vector<1x16xf32> to vector<16xf32>
        %add3A_569 = arith.addf %scan3A_526, %get3A_568 : vector<16xf32>
        %get3A_570 = arith.index_cast %add3A_530 : i32 to index
        %get3A_571 = arith.constant 0 : index
        %get3A_572 = tpu.vector_load %arg11[%get3A_570, %get3A_571] {strides = array<i32>} : memref<200x128xf32, #tpu.memory_space<vmem>>, vector<1x16xf32>,
        %get3A_573 = vector.shape_cast %get3A_572 : vector<1x16xf32> to vector<16xf32>
        %add3A_574 = arith.addf %add3A_534, %get3A_573 : vector<16xf32>
        %get3A_575 = arith.index_cast %add3A_530 : i32 to index
        %get3A_576 = arith.constant 16 : index
        %get3A_577 = tpu.vector_load %arg11[%get3A_575, %get3A_576] {strides = array<i32>} : memref<200x128xf32, #tpu.memory_space<vmem>>, vector<1x16xf32>,
        %get3A_578 = vector.shape_cast %get3A_577 : vector<1x16xf32> to vector<16xf32>
        %add3A_579 = arith.addf %add3A_539, %get3A_578 : vector<16xf32>
        %get3A_580 = arith.index_cast %add3A_530 : i32 to index
        %get3A_581 = arith.constant 32 : index
        %get3A_582 = tpu.vector_load %arg11[%get3A_580, %get3A_581] {strides = array<i32>} : memref<200x128xf32, #tpu.memory_space<vmem>>, vector<1x16xf32>,
        %get3A_583 = vector.shape_cast %get3A_582 : vector<1x16xf32> to vector<16xf32>
        %add3A_584 = arith.addf %add3A_544, %get3A_583 : vector<16xf32>
        %get3A_585 = arith.index_cast %add3A_530 : i32 to index
        %get3A_586 = arith.constant 48 : index
        %get3A_587 = tpu.vector_load %arg11[%get3A_585, %get3A_586] {strides = array<i32>} : memref<200x128xf32, #tpu.memory_space<vmem>>, vector<1x16xf32>,
        %get3A_588 = vector.shape_cast %get3A_587 : vector<1x16xf32> to vector<16xf32>
        %add3A_589 = arith.addf %add3A_549, %get3A_588 : vector<16xf32>
        %get3A_590 = arith.index_cast %add3A_530 : i32 to index
        %get3A_591 = arith.constant 64 : index
        %get3A_592 = tpu.vector_load %arg11[%get3A_590, %get3A_591] {strides = array<i32>} : memref<200x128xf32, #tpu.memory_space<vmem>>, vector<1x16xf32>,
        %get3A_593 = vector.shape_cast %get3A_592 : vector<1x16xf32> to vector<16xf32>
        %add3A_594 = arith.addf %add3A_554, %get3A_593 : vector<16xf32>
        %get3A_595 = arith.index_cast %add3A_530 : i32 to index
        %get3A_596 = arith.constant 80 : index
        %get3A_597 = tpu.vector_load %arg11[%get3A_595, %get3A_596] {strides = array<i32>} : memref<200x128xf32, #tpu.memory_space<vmem>>, vector<1x16xf32>,
        %get3A_598 = vector.shape_cast %get3A_597 : vector<1x16xf32> to vector<16xf32>
        %add3A_599 = arith.addf %add3A_559, %get3A_598 : vector<16xf32>
        %get3A_600 = arith.index_cast %add3A_530 : i32 to index
        %get3A_601 = arith.constant 96 : index
        %get3A_602 = tpu.vector_load %arg11[%get3A_600, %get3A_601] {strides = array<i32>} : memref<200x128xf32, #tpu.memory_space<vmem>>, vector<1x16xf32>,
        %get3A_603 = vector.shape_cast %get3A_602 : vector<1x16xf32> to vector<16xf32>
        %add3A_604 = arith.addf %add3A_564, %get3A_603 : vector<16xf32>
        %get3A_605 = arith.index_cast %add3A_530 : i32 to index
        %get3A_606 = arith.constant 112 : index
        %get3A_607 = tpu.vector_load %arg11[%get3A_605, %get3A_606] {strides = array<i32>} : memref<200x128xf32, #tpu.memory_space<vmem>>, vector<1x16xf32>,
        %get3A_608 = vector.shape_cast %get3A_607 : vector<1x16xf32> to vector<16xf32>
        %add3A_609 = arith.addf %add3A_569, %get3A_608 : vector<16xf32>
        scf.yield %add3A_574, %add3A_579, %add3A_584, %add3A_589, %add3A_594, %add3A_599, %add3A_604, %add3A_609 : vector<16xf32>, vector<16xf32>, vector<16xf32>, vector<16xf32>, vector<16xf32>, vector<16xf32>, vector<16xf32>, vector<16xf32>
      }
      %scan3A_340 = arith.constant 100 : i32
      %mul3A_341 = arith.constant 5.000000e-03 : f32
      %mul3A_342 = vector.broadcast %mul3A_341 : f32 to vector<16xf32>
      %mul3A_343 = arith.mulf %scan3A_339#0, %mul3A_342 : vector<16xf32>
      %swap3A_344 = arith.index_cast %add3A_295 : i32 to index
      %swap3A_345 = arith.constant 0 : index
      %swap3A_346 = tpu.vector_load %arg13[%swap3A_344, %swap3A_345] {strides = array<i32>} : memref<128x128xf32, #tpu.memory_space<vmem>>, vector<1x16xf32>,
      %swap3A_347 = vector.shape_cast %swap3A_346 : vector<1x16xf32> to vector<16xf32>
      %swap3A_348 = vector.shape_cast %mul3A_343 : vector<16xf32> to vector<1x16xf32>
      tpu.vector_store %arg13[%swap3A_344, %swap3A_345], %swap3A_348 {strides = array<i32>} : memref<128x128xf32, #tpu.memory_space<vmem>>, vector<1x16xf32>,
      %mul3A_349 = arith.constant 5.000000e-03 : f32
      %mul3A_350 = vector.broadcast %mul3A_349 : f32 to vector<16xf32>
      %mul3A_351 = arith.mulf %scan3A_339#1, %mul3A_350 : vector<16xf32>
      %swap3A_352 = arith.index_cast %add3A_295 : i32 to index
      %swap3A_353 = arith.constant 16 : index
      %swap3A_354 = tpu.vector_load %arg13[%swap3A_352, %swap3A_353] {strides = array<i32>} : memref<128x128xf32, #tpu.memory_space<vmem>>, vector<1x16xf32>,
      %swap3A_355 = vector.shape_cast %swap3A_354 : vector<1x16xf32> to vector<16xf32>
      %swap3A_356 = vector.shape_cast %mul3A_351 : vector<16xf32> to vector<1x16xf32>
      tpu.vector_store %arg13[%swap3A_352, %swap3A_353], %swap3A_356 {strides = array<i32>} : memref<128x128xf32, #tpu.memory_space<vmem>>, vector<1x16xf32>,
      %mul3A_357 = arith.constant 5.000000e-03 : f32
      %mul3A_358 = vector.broadcast %mul3A_357 : f32 to vector<16xf32>
      %mul3A_359 = arith.mulf %scan3A_339#2, %mul3A_358 : vector<16xf32>
      %swap3A_360 = arith.index_cast %add3A_295 : i32 to index
      %swap3A_361 = arith.constant 32 : index
      %swap3A_362 = tpu.vector_load %arg13[%swap3A_360, %swap3A_361] {strides = array<i32>} : memref<128x128xf32, #tpu.memory_space<vmem>>, vector<1x16xf32>,
      %swap3A_363 = vector.shape_cast %swap3A_362 : vector<1x16xf32> to vector<16xf32>
      %swap3A_364 = vector.shape_cast %mul3A_359 : vector<16xf32> to vector<1x16xf32>
      tpu.vector_store %arg13[%swap3A_360, %swap3A_361], %swap3A_364 {strides = array<i32>} : memref<128x128xf32, #tpu.memory_space<vmem>>, vector<1x16xf32>,
      %mul3A_365 = arith.constant 5.000000e-03 : f32
      %mul3A_366 = vector.broadcast %mul3A_365 : f32 to vector<16xf32>
      %mul3A_367 = arith.mulf %scan3A_339#3, %mul3A_366 : vector<16xf32>
      %swap3A_368 = arith.index_cast %add3A_295 : i32 to index
      %swap3A_369 = arith.constant 48 : index
      %swap3A_370 = tpu.vector_load %arg13[%swap3A_368, %swap3A_369] {strides = array<i32>} : memref<128x128xf32, #tpu.memory_space<vmem>>, vector<1x16xf32>,
      %swap3A_371 = vector.shape_cast %swap3A_370 : vector<1x16xf32> to vector<16xf32>
      %swap3A_372 = vector.shape_cast %mul3A_367 : vector<16xf32> to vector<1x16xf32>
      tpu.vector_store %arg13[%swap3A_368, %swap3A_369], %swap3A_372 {strides = array<i32>} : memref<128x128xf32, #tpu.memory_space<vmem>>, vector<1x16xf32>,
      %mul3A_373 = arith.constant 5.000000e-03 : f32
      %mul3A_374 = vector.broadcast %mul3A_373 : f32 to vector<16xf32>
      %mul3A_375 = arith.mulf %scan3A_339#4, %mul3A_374 : vector<16xf32>
      %swap3A_376 = arith.index_cast %add3A_295 : i32 to index
      %swap3A_377 = arith.constant 64 : index
      %swap3A_378 = tpu.vector_load %arg13[%swap3A_376, %swap3A_377] {strides = array<i32>} : memref<128x128xf32, #tpu.memory_space<vmem>>, vector<1x16xf32>,
      %swap3A_379 = vector.shape_cast %swap3A_378 : vector<1x16xf32> to vector<16xf32>
      %swap3A_380 = vector.shape_cast %mul3A_375 : vector<16xf32> to vector<1x16xf32>
      tpu.vector_store %arg13[%swap3A_376, %swap3A_377], %swap3A_380 {strides = array<i32>} : memref<128x128xf32, #tpu.memory_space<vmem>>, vector<1x16xf32>,
      %mul3A_381 = arith.constant 5.000000e-03 : f32
      %mul3A_382 = vector.broadcast %mul3A_381 : f32 to vector<16xf32>
      %mul3A_383 = arith.mulf %scan3A_339#5, %mul3A_382 : vector<16xf32>
      %swap3A_384 = arith.index_cast %add3A_295 : i32 to index
      %swap3A_385 = arith.constant 80 : index
      %swap3A_386 = tpu.vector_load %arg13[%swap3A_384, %swap3A_385] {strides = array<i32>} : memref<128x128xf32, #tpu.memory_space<vmem>>, vector<1x16xf32>,
      %swap3A_387 = vector.shape_cast %swap3A_386 : vector<1x16xf32> to vector<16xf32>
      %swap3A_388 = vector.shape_cast %mul3A_383 : vector<16xf32> to vector<1x16xf32>
      tpu.vector_store %arg13[%swap3A_384, %swap3A_385], %swap3A_388 {strides = array<i32>} : memref<128x128xf32, #tpu.memory_space<vmem>>, vector<1x16xf32>,
      %mul3A_389 = arith.constant 5.000000e-03 : f32
      %mul3A_390 = vector.broadcast %mul3A_389 : f32 to vector<16xf32>
      %mul3A_391 = arith.mulf %scan3A_339#6, %mul3A_390 : vector<16xf32>
      %swap3A_392 = arith.index_cast %add3A_295 : i32 to index
      %swap3A_393 = arith.constant 96 : index
      %swap3A_394 = tpu.vector_load %arg13[%swap3A_392, %swap3A_393] {strides = array<i32>} : memref<128x128xf32, #tpu.memory_space<vmem>>, vector<1x16xf32>,
      %swap3A_395 = vector.shape_cast %swap3A_394 : vector<1x16xf32> to vector<16xf32>
      %swap3A_396 = vector.shape_cast %mul3A_391 : vector<16xf32> to vector<1x16xf32>
      tpu.vector_store %arg13[%swap3A_392, %swap3A_393], %swap3A_396 {strides = array<i32>} : memref<128x128xf32, #tpu.memory_space<vmem>>, vector<1x16xf32>,
      %mul3A_397 = arith.constant 5.000000e-03 : f32
      %mul3A_398 = vector.broadcast %mul3A_397 : f32 to vector<16xf32>
      %mul3A_399 = arith.mulf %scan3A_339#7, %mul3A_398 : vector<16xf32>
      %swap3A_400 = arith.index_cast %add3A_295 : i32 to index
      %swap3A_401 = arith.constant 112 : index
      %swap3A_402 = tpu.vector_load %arg13[%swap3A_400, %swap3A_401] {strides = array<i32>} : memref<128x128xf32, #tpu.memory_space<vmem>>, vector<1x16xf32>,
      %swap3A_403 = vector.shape_cast %swap3A_402 : vector<1x16xf32> to vector<16xf32>
      %swap3A_404 = vector.shape_cast %mul3A_399 : vector<16xf32> to vector<1x16xf32>
      tpu.vector_store %arg13[%swap3A_400, %swap3A_401], %swap3A_404 {strides = array<i32>} : memref<128x128xf32, #tpu.memory_space<vmem>>, vector<1x16xf32>,
      %mul3A_405 = arith.constant 4 : i32
      %mul3A_406 = arith.muli %scan3A_71, %mul3A_405 : i32
      %add3A_407 = arith.constant 3 : i32
      %add3A_408 = arith.addi %mul3A_406, %add3A_407 : i32
      %dma_wait3A_409 = arith.constant 0 : i32
      %dma_wait3A_410 = arith.constant 0 : i32
      %dma_wait3A_411 = tpu.memref_slice %arg8[%dma_wait3A_409, %dma_wait3A_410] : memref<1x200xi32, #tpu.memory_space<vmem>> -> memref<1x200xi32, #tpu.memory_space<vmem>>
      %dma_wait3A_412 = tpu.memref_squeeze %dma_wait3A_411 : memref<1x200xi32, #tpu.memory_space<vmem>> -> memref<200xi32, #tpu.memory_space<vmem>>
      %dma_wait3A_413 = arith.constant 0 : i32
      %dma_wait3A_414 = arith.constant 0 : i32
      %dma_wait3A_415 = tpu.memref_slice %arg3[%dma_wait3A_413, %dma_wait3A_414] : memref<100000x128xf32, #tpu.memory_space<hbm>> -> memref<100000x128xf32, #tpu.memory_space<hbm>>
      tpu.wait_indirect_dma semaphore(%arg21 : memref<!tpu.dma_semaphore, #tpu.memory_space<semaphore_mem>>) src(%dma_wait3A_415 : memref<100000x128xf32, #tpu.memory_space<hbm>>) dst(%arg12 : memref<200x128xf32, #tpu.memory_space<vmem>>)
      %add3A_416 = arith.constant 4 : i32
      %add3A_417 = arith.addi %add3A_408, %add3A_416 : i32
      %lt3A_418 = arith.constant 128 : i32
      %lt3A_419 = arith.cmpi slt, %add3A_417, %lt3A_418 : i32
      %convert_element_type3A_420 = arith.extui %lt3A_419 : i1 to i32
      %cond3A_421 = arith.constant 0 : i32
      %cond3A_422 = arith.cmpi ne, %convert_element_type3A_420, %cond3A_421 : i32
      scf.if %cond3A_422 {
        %add3A_518 = arith.constant 4 : i32
        %add3A_519 = arith.addi %add3A_408, %add3A_518 : i32
        %mul3A_520 = arith.constant 1 : i32
        %mul3A_521 = arith.muli %add3A_519, %mul3A_520 : i32
        %add3A_522 = arith.addi %add3A_4, %mul3A_521 : i32
        %dma_start3A_523 = arith.constant 0 : i32
        %dma_start3A_524 = tpu.memref_slice %arg2[%add3A_522, %dma_start3A_523] : memref<4096x200xi32, #tpu.memory_space<hbm>> -> memref<1x200xi32, #tpu.memory_space<hbm>>
        %dma_start3A_525 = arith.constant 0 : i32
        %dma_start3A_526 = tpu.memref_slice %arg2[%add3A_522, %dma_start3A_525] : memref<4096x200xi32, #tpu.memory_space<hbm>> -> memref<1x200xi32, #tpu.memory_space<hbm>>
        tpu.enqueue_dma source(%dma_start3A_526 : memref<1x200xi32, #tpu.memory_space<hbm>>) target(%arg8 : memref<1x200xi32, #tpu.memory_space<vmem>>) target_semaphore(%arg17 : memref<!tpu.dma_semaphore, #tpu.memory_space<semaphore_mem>>)
      } else {
      }
      %add3A_423 = arith.constant 4 : i32
      %add3A_424 = arith.addi %add3A_408, %add3A_423 : i32
      %sub3A_425 = arith.constant 1 : i32
      %sub3A_426 = arith.subi %add3A_424, %sub3A_425 : i32
      %lt3A_427 = arith.constant 128 : i32
      %lt3A_428 = arith.cmpi slt, %sub3A_426, %lt3A_427 : i32
      %convert_element_type3A_429 = arith.extui %lt3A_428 : i1 to i32
      %cond3A_430 = arith.constant 0 : i32
      %cond3A_431 = arith.cmpi ne, %convert_element_type3A_429, %cond3A_430 : i32
      scf.if %cond3A_431 {
        %add3A_518 = arith.constant 4 : i32
        %add3A_519 = arith.addi %add3A_408, %add3A_518 : i32
        %sub3A_520 = arith.constant 1 : i32
        %sub3A_521 = arith.subi %add3A_519, %sub3A_520 : i32
        %mul3A_522 = arith.constant 1 : i32
        %mul3A_523 = arith.muli %sub3A_521, %mul3A_522 : i32
        %add3A_524 = arith.addi %add3A_4, %mul3A_523 : i32
        %dma_wait3A_525 = arith.constant 0 : i32
        %dma_wait3A_526 = tpu.memref_slice %arg2[%add3A_524, %dma_wait3A_525] : memref<4096x200xi32, #tpu.memory_space<hbm>> -> memref<1x200xi32, #tpu.memory_space<hbm>>
        %dma_wait3A_527 = arith.constant 0 : i32
        %dma_wait3A_528 = tpu.memref_slice %arg2[%add3A_524, %dma_wait3A_527] : memref<4096x200xi32, #tpu.memory_space<hbm>> -> memref<1x200xi32, #tpu.memory_space<hbm>>
        tpu.wait_dma2 semaphore(%arg16 : memref<!tpu.dma_semaphore, #tpu.memory_space<semaphore_mem>>) src(%dma_wait3A_528 : memref<1x200xi32, #tpu.memory_space<hbm>>) dst(%arg7 : memref<1x200xi32, #tpu.memory_space<vmem>>)
        %dma_start3A_529 = arith.constant 0 : i32
        %dma_start3A_530 = arith.constant 0 : i32
        %dma_start3A_531 = tpu.memref_slice %arg7[%dma_start3A_529, %dma_start3A_530] : memref<1x200xi32, #tpu.memory_space<vmem>> -> memref<1x200xi32, #tpu.memory_space<vmem>>
        %dma_start3A_532 = tpu.memref_squeeze %dma_start3A_531 : memref<1x200xi32, #tpu.memory_space<vmem>> -> memref<200xi32, #tpu.memory_space<vmem>>
        %dma_start3A_533 = arith.constant 0 : i32
        %dma_start3A_534 = arith.constant 0 : i32
        %dma_start3A_535 = tpu.memref_slice %arg3[%dma_start3A_533, %dma_start3A_534] : memref<100000x128xf32, #tpu.memory_space<hbm>> -> memref<100000x128xf32, #tpu.memory_space<hbm>>
        tpu.enqueue_indirect_dma source(%dma_start3A_535 : memref<100000x128xf32, #tpu.memory_space<hbm>>) target(%arg11 : memref<200x128xf32, #tpu.memory_space<vmem>>) offsets(%dma_start3A_532 : memref<200xi32, #tpu.memory_space<vmem>>) semaphore(%arg20 : memref<!tpu.dma_semaphore, #tpu.memory_space<semaphore_mem>>)
      } else {
      }
      %broadcast_in_dim3A_432 = arith.constant 0.000000e+00 : f32
      %broadcast_in_dim3A_433 = vector.broadcast %broadcast_in_dim3A_432 : f32 to vector<16xf32>
      %broadcast_in_dim3A_434 = arith.constant 0.000000e+00 : f32
      %broadcast_in_dim3A_435 = vector.broadcast %broadcast_in_dim3A_434 : f32 to vector<16xf32>
      %broadcast_in_dim3A_436 = arith.constant 0.000000e+00 : f32
      %broadcast_in_dim3A_437 = vector.broadcast %broadcast_in_dim3A_436 : f32 to vector<16xf32>
      %broadcast_in_dim3A_438 = arith.constant 0.000000e+00 : f32
      %broadcast_in_dim3A_439 = vector.broadcast %broadcast_in_dim3A_438 : f32 to vector<16xf32>
      %broadcast_in_dim3A_440 = arith.constant 0.000000e+00 : f32
      %broadcast_in_dim3A_441 = vector.broadcast %broadcast_in_dim3A_440 : f32 to vector<16xf32>
      %broadcast_in_dim3A_442 = arith.constant 0.000000e+00 : f32
      %broadcast_in_dim3A_443 = vector.broadcast %broadcast_in_dim3A_442 : f32 to vector<16xf32>
      %broadcast_in_dim3A_444 = arith.constant 0.000000e+00 : f32
      %broadcast_in_dim3A_445 = vector.broadcast %broadcast_in_dim3A_444 : f32 to vector<16xf32>
      %broadcast_in_dim3A_446 = arith.constant 0.000000e+00 : f32
      %broadcast_in_dim3A_447 = vector.broadcast %broadcast_in_dim3A_446 : f32 to vector<16xf32>
      %scan3A_448 = arith.constant 0 : i32
      %scan3A_449 = arith.constant 100 : i32
      %scan3A_450 = arith.addi %scan3A_448, %scan3A_449 : i32
      %scan3A_451 = arith.constant 1 : i32
      %scan3A_452:8 = scf.for %scan3A_518 = %scan3A_448 to %scan3A_450 step %scan3A_451 iter_args(%scan3A_519 = %broadcast_in_dim3A_433, %scan3A_520 = %broadcast_in_dim3A_435, %scan3A_521 = %broadcast_in_dim3A_437, %scan3A_522 = %broadcast_in_dim3A_439, %scan3A_523 = %broadcast_in_dim3A_441, %scan3A_524 = %broadcast_in_dim3A_443, %scan3A_525 = %broadcast_in_dim3A_445, %scan3A_526 = %broadcast_in_dim3A_447) -> (vector<16xf32>, vector<16xf32>, vector<16xf32>, vector<16xf32>, vector<16xf32>, vector<16xf32>, vector<16xf32>, vector<16xf32>)  : i32 {
        %mul3A_527 = arith.constant 2 : i32
        %mul3A_528 = arith.muli %scan3A_518, %mul3A_527 : i32
        %add3A_529 = arith.constant 1 : i32
        %add3A_530 = arith.addi %mul3A_528, %add3A_529 : i32
        %get3A = arith.index_cast %mul3A_528 : i32 to index
        %get3A_531 = arith.constant 0 : index
        %get3A_532 = tpu.vector_load %arg12[%get3A, %get3A_531] {strides = array<i32>} : memref<200x128xf32, #tpu.memory_space<vmem>>, vector<1x16xf32>,
        %get3A_533 = vector.shape_cast %get3A_532 : vector<1x16xf32> to vector<16xf32>
        %add3A_534 = arith.addf %scan3A_519, %get3A_533 : vector<16xf32>
        %get3A_535 = arith.index_cast %mul3A_528 : i32 to index
        %get3A_536 = arith.constant 16 : index
        %get3A_537 = tpu.vector_load %arg12[%get3A_535, %get3A_536] {strides = array<i32>} : memref<200x128xf32, #tpu.memory_space<vmem>>, vector<1x16xf32>,
        %get3A_538 = vector.shape_cast %get3A_537 : vector<1x16xf32> to vector<16xf32>
        %add3A_539 = arith.addf %scan3A_520, %get3A_538 : vector<16xf32>
        %get3A_540 = arith.index_cast %mul3A_528 : i32 to index
        %get3A_541 = arith.constant 32 : index
        %get3A_542 = tpu.vector_load %arg12[%get3A_540, %get3A_541] {strides = array<i32>} : memref<200x128xf32, #tpu.memory_space<vmem>>, vector<1x16xf32>,
        %get3A_543 = vector.shape_cast %get3A_542 : vector<1x16xf32> to vector<16xf32>
        %add3A_544 = arith.addf %scan3A_521, %get3A_543 : vector<16xf32>
        %get3A_545 = arith.index_cast %mul3A_528 : i32 to index
        %get3A_546 = arith.constant 48 : index
        %get3A_547 = tpu.vector_load %arg12[%get3A_545, %get3A_546] {strides = array<i32>} : memref<200x128xf32, #tpu.memory_space<vmem>>, vector<1x16xf32>,
        %get3A_548 = vector.shape_cast %get3A_547 : vector<1x16xf32> to vector<16xf32>
        %add3A_549 = arith.addf %scan3A_522, %get3A_548 : vector<16xf32>
        %get3A_550 = arith.index_cast %mul3A_528 : i32 to index
        %get3A_551 = arith.constant 64 : index
        %get3A_552 = tpu.vector_load %arg12[%get3A_550, %get3A_551] {strides = array<i32>} : memref<200x128xf32, #tpu.memory_space<vmem>>, vector<1x16xf32>,
        %get3A_553 = vector.shape_cast %get3A_552 : vector<1x16xf32> to vector<16xf32>
        %add3A_554 = arith.addf %scan3A_523, %get3A_553 : vector<16xf32>
        %get3A_555 = arith.index_cast %mul3A_528 : i32 to index
        %get3A_556 = arith.constant 80 : index
        %get3A_557 = tpu.vector_load %arg12[%get3A_555, %get3A_556] {strides = array<i32>} : memref<200x128xf32, #tpu.memory_space<vmem>>, vector<1x16xf32>,
        %get3A_558 = vector.shape_cast %get3A_557 : vector<1x16xf32> to vector<16xf32>
        %add3A_559 = arith.addf %scan3A_524, %get3A_558 : vector<16xf32>
        %get3A_560 = arith.index_cast %mul3A_528 : i32 to index
        %get3A_561 = arith.constant 96 : index
        %get3A_562 = tpu.vector_load %arg12[%get3A_560, %get3A_561] {strides = array<i32>} : memref<200x128xf32, #tpu.memory_space<vmem>>, vector<1x16xf32>,
        %get3A_563 = vector.shape_cast %get3A_562 : vector<1x16xf32> to vector<16xf32>
        %add3A_564 = arith.addf %scan3A_525, %get3A_563 : vector<16xf32>
        %get3A_565 = arith.index_cast %mul3A_528 : i32 to index
        %get3A_566 = arith.constant 112 : index
        %get3A_567 = tpu.vector_load %arg12[%get3A_565, %get3A_566] {strides = array<i32>} : memref<200x128xf32, #tpu.memory_space<vmem>>, vector<1x16xf32>,
        %get3A_568 = vector.shape_cast %get3A_567 : vector<1x16xf32> to vector<16xf32>
        %add3A_569 = arith.addf %scan3A_526, %get3A_568 : vector<16xf32>
        %get3A_570 = arith.index_cast %add3A_530 : i32 to index
        %get3A_571 = arith.constant 0 : index
        %get3A_572 = tpu.vector_load %arg12[%get3A_570, %get3A_571] {strides = array<i32>} : memref<200x128xf32, #tpu.memory_space<vmem>>, vector<1x16xf32>,
        %get3A_573 = vector.shape_cast %get3A_572 : vector<1x16xf32> to vector<16xf32>
        %add3A_574 = arith.addf %add3A_534, %get3A_573 : vector<16xf32>
        %get3A_575 = arith.index_cast %add3A_530 : i32 to index
        %get3A_576 = arith.constant 16 : index
        %get3A_577 = tpu.vector_load %arg12[%get3A_575, %get3A_576] {strides = array<i32>} : memref<200x128xf32, #tpu.memory_space<vmem>>, vector<1x16xf32>,
        %get3A_578 = vector.shape_cast %get3A_577 : vector<1x16xf32> to vector<16xf32>
        %add3A_579 = arith.addf %add3A_539, %get3A_578 : vector<16xf32>
        %get3A_580 = arith.index_cast %add3A_530 : i32 to index
        %get3A_581 = arith.constant 32 : index
        %get3A_582 = tpu.vector_load %arg12[%get3A_580, %get3A_581] {strides = array<i32>} : memref<200x128xf32, #tpu.memory_space<vmem>>, vector<1x16xf32>,
        %get3A_583 = vector.shape_cast %get3A_582 : vector<1x16xf32> to vector<16xf32>
        %add3A_584 = arith.addf %add3A_544, %get3A_583 : vector<16xf32>
        %get3A_585 = arith.index_cast %add3A_530 : i32 to index
        %get3A_586 = arith.constant 48 : index
        %get3A_587 = tpu.vector_load %arg12[%get3A_585, %get3A_586] {strides = array<i32>} : memref<200x128xf32, #tpu.memory_space<vmem>>, vector<1x16xf32>,
        %get3A_588 = vector.shape_cast %get3A_587 : vector<1x16xf32> to vector<16xf32>
        %add3A_589 = arith.addf %add3A_549, %get3A_588 : vector<16xf32>
        %get3A_590 = arith.index_cast %add3A_530 : i32 to index
        %get3A_591 = arith.constant 64 : index
        %get3A_592 = tpu.vector_load %arg12[%get3A_590, %get3A_591] {strides = array<i32>} : memref<200x128xf32, #tpu.memory_space<vmem>>, vector<1x16xf32>,
        %get3A_593 = vector.shape_cast %get3A_592 : vector<1x16xf32> to vector<16xf32>
        %add3A_594 = arith.addf %add3A_554, %get3A_593 : vector<16xf32>
        %get3A_595 = arith.index_cast %add3A_530 : i32 to index
        %get3A_596 = arith.constant 80 : index
        %get3A_597 = tpu.vector_load %arg12[%get3A_595, %get3A_596] {strides = array<i32>} : memref<200x128xf32, #tpu.memory_space<vmem>>, vector<1x16xf32>,
        %get3A_598 = vector.shape_cast %get3A_597 : vector<1x16xf32> to vector<16xf32>
        %add3A_599 = arith.addf %add3A_559, %get3A_598 : vector<16xf32>
        %get3A_600 = arith.index_cast %add3A_530 : i32 to index
        %get3A_601 = arith.constant 96 : index
        %get3A_602 = tpu.vector_load %arg12[%get3A_600, %get3A_601] {strides = array<i32>} : memref<200x128xf32, #tpu.memory_space<vmem>>, vector<1x16xf32>,
        %get3A_603 = vector.shape_cast %get3A_602 : vector<1x16xf32> to vector<16xf32>
        %add3A_604 = arith.addf %add3A_564, %get3A_603 : vector<16xf32>
        %get3A_605 = arith.index_cast %add3A_530 : i32 to index
        %get3A_606 = arith.constant 112 : index
        %get3A_607 = tpu.vector_load %arg12[%get3A_605, %get3A_606] {strides = array<i32>} : memref<200x128xf32, #tpu.memory_space<vmem>>, vector<1x16xf32>,
        %get3A_608 = vector.shape_cast %get3A_607 : vector<1x16xf32> to vector<16xf32>
        %add3A_609 = arith.addf %add3A_569, %get3A_608 : vector<16xf32>
        scf.yield %add3A_574, %add3A_579, %add3A_584, %add3A_589, %add3A_594, %add3A_599, %add3A_604, %add3A_609 : vector<16xf32>, vector<16xf32>, vector<16xf32>, vector<16xf32>, vector<16xf32>, vector<16xf32>, vector<16xf32>, vector<16xf32>
      }
      %scan3A_453 = arith.constant 100 : i32
      %mul3A_454 = arith.constant 5.000000e-03 : f32
      %mul3A_455 = vector.broadcast %mul3A_454 : f32 to vector<16xf32>
      %mul3A_456 = arith.mulf %scan3A_452#0, %mul3A_455 : vector<16xf32>
      %swap3A_457 = arith.index_cast %add3A_408 : i32 to index
      %swap3A_458 = arith.constant 0 : index
      %swap3A_459 = tpu.vector_load %arg13[%swap3A_457, %swap3A_458] {strides = array<i32>} : memref<128x128xf32, #tpu.memory_space<vmem>>, vector<1x16xf32>,
      %swap3A_460 = vector.shape_cast %swap3A_459 : vector<1x16xf32> to vector<16xf32>
      %swap3A_461 = vector.shape_cast %mul3A_456 : vector<16xf32> to vector<1x16xf32>
      tpu.vector_store %arg13[%swap3A_457, %swap3A_458], %swap3A_461 {strides = array<i32>} : memref<128x128xf32, #tpu.memory_space<vmem>>, vector<1x16xf32>,
      %mul3A_462 = arith.constant 5.000000e-03 : f32
      %mul3A_463 = vector.broadcast %mul3A_462 : f32 to vector<16xf32>
      %mul3A_464 = arith.mulf %scan3A_452#1, %mul3A_463 : vector<16xf32>
      %swap3A_465 = arith.index_cast %add3A_408 : i32 to index
      %swap3A_466 = arith.constant 16 : index
      %swap3A_467 = tpu.vector_load %arg13[%swap3A_465, %swap3A_466] {strides = array<i32>} : memref<128x128xf32, #tpu.memory_space<vmem>>, vector<1x16xf32>,
      %swap3A_468 = vector.shape_cast %swap3A_467 : vector<1x16xf32> to vector<16xf32>
      %swap3A_469 = vector.shape_cast %mul3A_464 : vector<16xf32> to vector<1x16xf32>
      tpu.vector_store %arg13[%swap3A_465, %swap3A_466], %swap3A_469 {strides = array<i32>} : memref<128x128xf32, #tpu.memory_space<vmem>>, vector<1x16xf32>,
      %mul3A_470 = arith.constant 5.000000e-03 : f32
      %mul3A_471 = vector.broadcast %mul3A_470 : f32 to vector<16xf32>
      %mul3A_472 = arith.mulf %scan3A_452#2, %mul3A_471 : vector<16xf32>
      %swap3A_473 = arith.index_cast %add3A_408 : i32 to index
      %swap3A_474 = arith.constant 32 : index
      %swap3A_475 = tpu.vector_load %arg13[%swap3A_473, %swap3A_474] {strides = array<i32>} : memref<128x128xf32, #tpu.memory_space<vmem>>, vector<1x16xf32>,
      %swap3A_476 = vector.shape_cast %swap3A_475 : vector<1x16xf32> to vector<16xf32>
      %swap3A_477 = vector.shape_cast %mul3A_472 : vector<16xf32> to vector<1x16xf32>
      tpu.vector_store %arg13[%swap3A_473, %swap3A_474], %swap3A_477 {strides = array<i32>} : memref<128x128xf32, #tpu.memory_space<vmem>>, vector<1x16xf32>,
      %mul3A_478 = arith.constant 5.000000e-03 : f32
      %mul3A_479 = vector.broadcast %mul3A_478 : f32 to vector<16xf32>
      %mul3A_480 = arith.mulf %scan3A_452#3, %mul3A_479 : vector<16xf32>
      %swap3A_481 = arith.index_cast %add3A_408 : i32 to index
      %swap3A_482 = arith.constant 48 : index
      %swap3A_483 = tpu.vector_load %arg13[%swap3A_481, %swap3A_482] {strides = array<i32>} : memref<128x128xf32, #tpu.memory_space<vmem>>, vector<1x16xf32>,
      %swap3A_484 = vector.shape_cast %swap3A_483 : vector<1x16xf32> to vector<16xf32>
      %swap3A_485 = vector.shape_cast %mul3A_480 : vector<16xf32> to vector<1x16xf32>
      tpu.vector_store %arg13[%swap3A_481, %swap3A_482], %swap3A_485 {strides = array<i32>} : memref<128x128xf32, #tpu.memory_space<vmem>>, vector<1x16xf32>,
      %mul3A_486 = arith.constant 5.000000e-03 : f32
      %mul3A_487 = vector.broadcast %mul3A_486 : f32 to vector<16xf32>
      %mul3A_488 = arith.mulf %scan3A_452#4, %mul3A_487 : vector<16xf32>
      %swap3A_489 = arith.index_cast %add3A_408 : i32 to index
      %swap3A_490 = arith.constant 64 : index
      %swap3A_491 = tpu.vector_load %arg13[%swap3A_489, %swap3A_490] {strides = array<i32>} : memref<128x128xf32, #tpu.memory_space<vmem>>, vector<1x16xf32>,
      %swap3A_492 = vector.shape_cast %swap3A_491 : vector<1x16xf32> to vector<16xf32>
      %swap3A_493 = vector.shape_cast %mul3A_488 : vector<16xf32> to vector<1x16xf32>
      tpu.vector_store %arg13[%swap3A_489, %swap3A_490], %swap3A_493 {strides = array<i32>} : memref<128x128xf32, #tpu.memory_space<vmem>>, vector<1x16xf32>,
      %mul3A_494 = arith.constant 5.000000e-03 : f32
      %mul3A_495 = vector.broadcast %mul3A_494 : f32 to vector<16xf32>
      %mul3A_496 = arith.mulf %scan3A_452#5, %mul3A_495 : vector<16xf32>
      %swap3A_497 = arith.index_cast %add3A_408 : i32 to index
      %swap3A_498 = arith.constant 80 : index
      %swap3A_499 = tpu.vector_load %arg13[%swap3A_497, %swap3A_498] {strides = array<i32>} : memref<128x128xf32, #tpu.memory_space<vmem>>, vector<1x16xf32>,
      %swap3A_500 = vector.shape_cast %swap3A_499 : vector<1x16xf32> to vector<16xf32>
      %swap3A_501 = vector.shape_cast %mul3A_496 : vector<16xf32> to vector<1x16xf32>
      tpu.vector_store %arg13[%swap3A_497, %swap3A_498], %swap3A_501 {strides = array<i32>} : memref<128x128xf32, #tpu.memory_space<vmem>>, vector<1x16xf32>,
      %mul3A_502 = arith.constant 5.000000e-03 : f32
      %mul3A_503 = vector.broadcast %mul3A_502 : f32 to vector<16xf32>
      %mul3A_504 = arith.mulf %scan3A_452#6, %mul3A_503 : vector<16xf32>
      %swap3A_505 = arith.index_cast %add3A_408 : i32 to index
      %swap3A_506 = arith.constant 96 : index
      %swap3A_507 = tpu.vector_load %arg13[%swap3A_505, %swap3A_506] {strides = array<i32>} : memref<128x128xf32, #tpu.memory_space<vmem>>, vector<1x16xf32>,
      %swap3A_508 = vector.shape_cast %swap3A_507 : vector<1x16xf32> to vector<16xf32>
      %swap3A_509 = vector.shape_cast %mul3A_504 : vector<16xf32> to vector<1x16xf32>
      tpu.vector_store %arg13[%swap3A_505, %swap3A_506], %swap3A_509 {strides = array<i32>} : memref<128x128xf32, #tpu.memory_space<vmem>>, vector<1x16xf32>,
      %mul3A_510 = arith.constant 5.000000e-03 : f32
      %mul3A_511 = vector.broadcast %mul3A_510 : f32 to vector<16xf32>
      %mul3A_512 = arith.mulf %scan3A_452#7, %mul3A_511 : vector<16xf32>
      %swap3A_513 = arith.index_cast %add3A_408 : i32 to index
      %swap3A_514 = arith.constant 112 : index
      %swap3A_515 = tpu.vector_load %arg13[%swap3A_513, %swap3A_514] {strides = array<i32>} : memref<128x128xf32, #tpu.memory_space<vmem>>, vector<1x16xf32>,
      %swap3A_516 = vector.shape_cast %swap3A_515 : vector<1x16xf32> to vector<16xf32>
      %swap3A_517 = vector.shape_cast %mul3A_512 : vector<16xf32> to vector<1x16xf32>
      tpu.vector_store %arg13[%swap3A_513, %swap3A_514], %swap3A_517 {strides = array<i32>} : memref<128x128xf32, #tpu.memory_space<vmem>>, vector<1x16xf32>,
    }
    %scan3A_70 = arith.constant 32 : i32
    "tpu.region"() ({
      %run_scoped3A = tpu.sem_alloc : memref<!tpu.dma_semaphore, #tpu.memory_space<semaphore_mem>>
      %dma_start3A_71 = arith.constant 0 : i32
      %dma_start3A_72 = tpu.memref_slice %arg4[%mul3A_2, %dma_start3A_71] : memref<4096x128xf32, #tpu.memory_space<hbm>> -> memref<128x128xf32, #tpu.memory_space<hbm>>
      %dma_start3A_73 = arith.constant 0 : i32
      %dma_start3A_74 = tpu.memref_slice %arg4[%mul3A_2, %dma_start3A_73] : memref<4096x128xf32, #tpu.memory_space<hbm>> -> memref<128x128xf32, #tpu.memory_space<hbm>>
      tpu.enqueue_dma source(%arg13 : memref<128x128xf32, #tpu.memory_space<vmem>>) target(%dma_start3A_74 : memref<128x128xf32, #tpu.memory_space<hbm>>) target_semaphore(%run_scoped3A : memref<!tpu.dma_semaphore, #tpu.memory_space<semaphore_mem>>)
      %dma_wait3A_75 = arith.constant 0 : i32
      %dma_wait3A_76 = tpu.memref_slice %arg4[%mul3A_2, %dma_wait3A_75] : memref<4096x128xf32, #tpu.memory_space<hbm>> -> memref<128x128xf32, #tpu.memory_space<hbm>>
      %dma_wait3A_77 = arith.constant 0 : i32
      %dma_wait3A_78 = tpu.memref_slice %arg4[%mul3A_2, %dma_wait3A_77] : memref<4096x128xf32, #tpu.memory_space<hbm>> -> memref<128x128xf32, #tpu.memory_space<hbm>>
      tpu.wait_dma2 semaphore(%run_scoped3A : memref<!tpu.dma_semaphore, #tpu.memory_space<semaphore_mem>>) src(%arg13 : memref<128x128xf32, #tpu.memory_space<vmem>>) dst(%dma_wait3A_78 : memref<128x128xf32, #tpu.memory_space<hbm>>)
      tpu.yield
    }) : () -> ()
    return
  }
}

module attributes {stable_mosaic.version = 14 : i64} {
  func.func @_mm_body_t(%arg0: i32, %arg1: memref<1000x128xf32, #tpu.memory_space<vmem>>, %arg2: memref<2048x128xf32, #tpu.memory_space<vmem>>, %arg3: memref<1000x1xf32, #tpu.memory_space<vmem>>, %arg4: memref<1000x2048xf32, #tpu.memory_space<vmem>>) attributes {dimension_semantics = [#tpu.dimension_semantics<arbitrary>], iteration_bounds = array<i64: 2>, scalar_prefetch = 0 : i64, scratch_operands = 0 : i64, tpu.core_type = #tpu.core_type<tc>, window_params = [{pipeline_mode = #tpu.pipeline_mode<synchronous>, transform_indices = @transform_0, window_bounds = array<i64: 1000, 128>}, {transform_indices = @transform_1, window_bounds = array<i64: 2048, 128>}, {pipeline_mode = #tpu.pipeline_mode<synchronous>, transform_indices = @transform_2, window_bounds = array<i64: 1000, 1>}, {transform_indices = @transform_3, window_bounds = array<i64: 1000, 2048>}]} {
    %get3A = arith.constant 0 : index
    %get3A_0 = arith.constant 0 : index
    %get3A_1 = vector.load %arg1[%get3A, %get3A_0] : memref<1000x128xf32, #tpu.memory_space<vmem>>, vector<1000x128xf32>
    %get3A_2 = arith.constant 0 : index
    %get3A_3 = arith.constant 0 : index
    %get3A_4 = vector.load %arg2[%get3A_2, %get3A_3] : memref<2048x128xf32, #tpu.memory_space<vmem>>, vector<2048x128xf32>
    %dot_general3A = arith.constant dense<0.000000e+00> : vector<1000x2048xf32>
    %dot_general3A_5 = tpu.matmul %get3A_1, %get3A_4, %dot_general3A {dimension_numbers = #tpu.dot_dimension_numbers<[1], [1], [0], [0], [0, 0, 1, 0], [], []>, transpose_lhs_hint = false} : vector<1000x128xf32>, vector<2048x128xf32>, vector<1000x2048xf32> -> vector<1000x2048xf32>
    %get3A_6 = arith.constant 0 : index
    %get3A_7 = arith.constant 0 : index
    %get3A_8 = vector.load %arg3[%get3A_6, %get3A_7] : memref<1000x1xf32, #tpu.memory_space<vmem>>, vector<1000x1xf32>
    %add3A = vector.broadcast %get3A_8 : vector<1000x1xf32> to vector<1000x2048xf32>
    %add3A_9 = arith.addf %dot_general3A_5, %add3A : vector<1000x2048xf32>
    %swap3A = arith.constant 0 : index
    %swap3A_10 = arith.constant 0 : index
    %swap3A_11 = vector.load %arg4[%swap3A, %swap3A_10] : memref<1000x2048xf32, #tpu.memory_space<vmem>>, vector<1000x2048xf32>
    tpu.vector_store %arg4[%swap3A, %swap3A_10], %add3A_9 {strides = array<i32>} : memref<1000x2048xf32, #tpu.memory_space<vmem>>, vector<1000x2048xf32>,
    return
  }
  func.func @transform_0(%arg0: i32) -> (i32, i32) {
    %c0_i32 = arith.constant 0 : i32
    %c0_i32_0 = arith.constant 0 : i32
    %c0_i32_1 = arith.constant 0 : i32
    return %c0_i32, %c0_i32_0 : i32, i32
  }
  func.func @transform_1(%arg0: i32) -> (i32, i32) {
    %c0_i32 = arith.constant 0 : i32
    %c0_i32_0 = arith.constant 0 : i32
    return %arg0, %c0_i32 : i32, i32
  }
  func.func @transform_2(%arg0: i32) -> (i32, i32) {
    %c0_i32 = arith.constant 0 : i32
    %c0_i32_0 = arith.constant 0 : i32
    %c0_i32_1 = arith.constant 0 : i32
    return %c0_i32, %c0_i32_0 : i32, i32
  }
  func.func @transform_3(%arg0: i32) -> (i32, i32) {
    %c0_i32 = arith.constant 0 : i32
    %c0_i32_0 = arith.constant 0 : i32
    return %c0_i32, %arg0 : i32, i32
  }
}

</mosaic_0001>

<sc_bundles>
// kernel: kernel.4.cloned.1.call-start
scs
__scs_entry_jumppad:
0x0: {  	(pc) =	sbr.rel $0x88, $3  }
0x1: {  	(tag) =	ssettag $0x0;
	lr =	simm.s32 $0x1  }
0x2: {  	[smem:$0x3F9D] =	sst lr;
	_ =	strace $0xD0000000  }
0x3: {  	_ = 	snop  }
0x4: {  	_ = 	snop  }
0x5: {  	_ = 	snop  }
0x6: {  	_ = 	snop  }
0x7: {  	_ = 	snop  }
__scs_overlays_trampoline_lowered:
0x8: {  	[smem:$0x3FAC] =	sst s0  }
0x9: {  	[smem:$0x3FAD] =	sst s1  }
0xa: {  	[smem:$0x3FAE] =	sst s2  }
0xb: {  	[smem:$0x3FAF] =	sst s3  }
0xc: {  	[smem:$0x3FB0] =	sst s4  }
0xd: {  	[smem:$0x3FB1] =	sst s5  }
0xe: {  	[smem:$0x3FB2] =	sst s6  }
0xf: {  	[smem:$0x3FB3] =	sst s7  }
0x10: {  	[smem:$0x3FB4] =	sst s8  }
0x11: {  	[smem:$0x3FB5] =	sst s9;
	s0 =	simm.s32 @!p0 $0x0  }
0x12: {  	s1 =	sld [smem:$0x3F9B];
	s0 =	simm.s32 @p0 $0x1  }
0x13: {  	[smem:$0x3FB6] =	sst s0;
	s0 =	simm.s32 @!p1 $0x0  }
0x14: {  	s2 =	sld [smem:$0x3F9A];
	s0 =	simm.s32 @p1 $0x1  }
0x15: {  	[smem:$0x3FB7] =	sst s0;
	s0 =	simm.s32 @!p2 $0x0  }
0x16: {  	s3 =	sld [smem:$0x3FDB];
	s0 =	simm.s32 @p2 $0x1  }
0x17: {  	s4 =	simm.s32 $0x1BF5;
	[smem:$0x3FB9] =	sst s0  }
0x18: {  	s0 =	sld [smem:$0x3F9C];
	_ =	swait.ge [sflag:s4], $0x0  }
0x19: {  	s7 =	sld [smem:$0x3F9D]  }
0x1a: {  	s8 =	sadd.s32 $0xFFFFE003, lr  }
0x1b: {  	s9 =	sadd.s32 $0xFFFFFEF7, lr;
	s5 =	simm.s32 $0xFFFFFFFF;
	p2 =	slt.u32 s8, $0xFFFFF086  }
0x1c: {  	p1 =	slt.u32 s9, $0xF7A;
	s5 =	simm.s32 @!p2 $0x0  }
0x1d: {  	s5 =	simm.s32 @p1 $0x1;
	p0 =	seq.s32 s7, s2  }
0x1e: {  	s7 =	smul.u32 @!p0 $0xF7A, s2;
	p2 =	seq.s32 @!p0 s5, $0x0  }
0x1f: {  	s9 =	smul.u32 $0xF7A, s1;
	s8 =	simm.s32 @!p0 $0x1BF5;
	p2 =	por !p2, p0  }
0x20: {  	[sflag:s8] =	ssyncset.s32 @!p0 $0xFFFFF086;
	s6 =	sadd.s32 @!p0 s3, s7;
	s7 =	simm.s32 @!p0 $0x108  }
0x21: {  	s3 =	sadd.s32 s3, s9;
	s6 =	sadd.s32 @!p0 $0x88, s6;
	s7 =	simm.s32 @p2 $0x1082  }
0x22: {  	[simem:s7], [sflag:s8] =	dma.local @!p0 [hbm:s6], $0xF7A  }
0x23: {  	s9 =	sor.u32 $0xD0000000, s2;
	s6 =	simm.s32 $0x108;
	_ =	swait.ge @!p0 [sflag:s8], $0x0  }
0x24: {  	s3 =	sadd.s32 $0x88, s3;
	s6 =	simm.s32 @!p1 $0x1082;
	[sflag:s4] =	ssyncset.s32 $0xFFFFF086  }
0x25: {  	[simem:s6], [sflag:s4] =	dma.local [hbm:s3], $0xF7A  }
0x26: {  	[smem:$0x3F9D] =	sst s1;
	(tag) =	ssettag s2;
	_ =	strace s9  }
0x27: {  	s1 =	sld [smem:$0x3FAD]  }
0x28: {  	s2 =	sld [smem:$0x3FAE]  }
0x29: {  	s4 =	sld [smem:$0x3FB0]  }
0x2a: {  	p0 =	seq.s32 s5, $0x0;
	s5 =	sld [smem:$0x3FB1]  }
0x2b: {  	s6 =	sld [smem:$0x3FB2]  }
0x2c: {  	s7 =	sld [smem:$0x3FB3]  }
0x2d: {  	s3 =	simm.s32 $0x108;
	s8 =	sld [smem:$0x3FB4]  }
0x2e: {  	s3 =	simm.s32 @!p0 $0x1082;
	s9 =	sld [smem:$0x3FB5]  }
0x2f: {  	lr =	sadd.s32 s0, s3;
	s0 =	sld [smem:$0x3FAC]  }
0x30: {  	s3 =	sld [smem:$0x3FAF]  }
0x31: {  	[smem:$0x3FB8] =	sst s10  }
0x32: {  	s10 =	sld [smem:$0x3FB6];
	_ =	sdelay $0x3  }
0x33: {  	p0 =	seq.s32 s10, $0x1;
	s10 =	sld [smem:$0x3FB8];
	_ =	sdelay $0x3  }
0x34: {  	[smem:$0x3FB8] =	sst s10  }
0x35: {  	s10 =	sld [smem:$0x3FB7];
	_ =	sdelay $0x3  }
0x36: {  	p1 =	seq.s32 s10, $0x1;
	s10 =	sld [smem:$0x3FB8];
	_ =	sdelay $0x3  }
0x37: {  	[smem:$0x3FB8] =	sst s10  }
0x38: {  	s10 =	sld [smem:$0x3FB9]  }
0x39: {  	_ = 	snop;
	(pc) =	sbr.ind lr, $3  }
0x3a: {  	_ = 	snop  }
0x3b: {  	_ = 	snop  }
0x3c: {  	p2 =	seq.s32 s10, $0x1;
	s10 =	sld [smem:$0x3FB8]  }
0x3d: {  	_ =	shalt  }
0x3e: {  	_ =	shalt  }
0x3f: {  	_ =	shalt  }
0x40: {  	_ =	shalt  }
0x41: {  	_ =	shalt  }
0x42: {  	_ =	shalt  }
0x43: {  	_ =	shalt  }
0x44: {  	_ =	shalt  }
0x45: {  	_ =	shalt  }
0x46: {  	_ =	shalt  }
0x47: {  	_ =	shalt  }
0x48: {  	_ =	shalt  }
0x49: {  	_ =	shalt  }
0x4a: {  	_ =	shalt  }
0x4b: {  	_ =	shalt  }
0x4c: {  	_ =	shalt  }
0x4d: {  	_ =	shalt  }
0x4e: {  	_ =	shalt  }
0x4f: {  	_ =	shalt  }
0x50: {  	_ =	shalt  }
0x51: {  	_ =	shalt  }
0x52: {  	_ =	shalt  }
0x53: {  	_ =	shalt  }
0x54: {  	_ =	shalt  }
0x55: {  	_ =	shalt  }
0x56: {  	_ =	shalt  }
0x57: {  	_ =	shalt  }
0x58: {  	_ =	shalt  }
0x59: {  	_ =	shalt  }
0x5a: {  	_ =	shalt  }
0x5b: {  	_ =	shalt  }
0x5c: {  	_ =	shalt  }
0x5d: {  	_ =	shalt  }
0x5e: {  	_ =	shalt  }
0x5f: {  	_ =	shalt  }
0x60: {  	_ =	shalt  }
0x61: {  	_ =	shalt  }
0x62: {  	_ =	shalt  }
0x63: {  	_ =	shalt  }
0x64: {  	_ =	shalt  }
0x65: {  	_ =	shalt  }
0x66: {  	_ =	shalt  }
0x67: {  	_ =	shalt  }
0x68: {  	_ =	shalt  }
0x69: {  	_ =	shalt  }
0x6a: {  	_ =	shalt  }
0x6b: {  	_ =	shalt  }
0x6c: {  	_ =	shalt  }
0x6d: {  	_ =	shalt  }
0x6e: {  	_ =	shalt  }
0x6f: {  	_ =	shalt  }
0x70: {  	_ =	shalt  }
0x71: {  	_ =	shalt  }
0x72: {  	_ =	shalt  }
0x73: {  	_ =	shalt  }
0x74: {  	_ =	shalt  }
0x75: {  	_ =	shalt  }
0x76: {  	_ =	shalt  }
0x77: {  	_ =	shalt  }
0x78: {  	_ =	shalt  }
0x79: {  	_ =	shalt  }
0x7a: {  	_ =	shalt  }
0x7b: {  	_ =	shalt  }
0x7c: {  	_ =	shalt  }
0x7d: {  	_ =	shalt  }
0x7e: {  	_ =	shalt  }
0x7f: {  	_ =	shalt  }
0x80: {  	_ =	shalt  }
0x81: {  	_ =	shalt  }
0x82: {  	_ =	shalt  }
0x83: {  	_ =	shalt  }
0x84: {  	_ =	shalt  }
0x85: {  	_ =	shalt  }
0x86: {  	_ =	shalt  }
0x87: {  	_ =	shalt  }
.Lfunc_end0:
.L_simem_size_0:
called_computation_lowered:
.L_overlay_start_0:
0x88: {  	s2 =	sld [smem:$0x3FD9]  }
0x89: {  	s3 =	sld [smem:$0x3FFE];
	_ =	sdelay $0x1  }
0x8a: {  	s1 =	srdreg.scid  }
0x8b: {  	s0 =	sand.u32 $0x1, s1  }
0x8c: {  	s17 =	sshll.u32 s0, $0xA;
	s2 =	sadd.s32 s3, s2  }
0x8d: {  	s2 =	sadd.s32 s2, s17  }
0x8e: {  	[smem:$0x3FC4] =	sst s2  }
0x8f: {  	_ = 	snop  }
0x90: {  	s2 =	sld [smem:$0x3FC8]  }
0x91: {  	s18 =	sld [smem:$0x3FD0];
	(tm) =	ssettm $0x1  }
0x92: {  	s4 =	sld [smem:$0x3FFB];
	_ =	sdelay $0x3  }
0x93: {  	_ =	strace s4  }
0x94: {  	s4 =	sld [smem:$0x3FFC];
	_ =	sdelay $0x3  }
0x95: {  	_ =	strace s4  }
0x96: {  	s4 =	sld [smem:$0x3FFD];
	_ =	sdelay $0x3  }
0x97: {  	_ =	strace s4  }
0x98: {  	_ =	strace $0x8FFFFFFF  }
0x99: {  	s19 =	sld [smem:$0x3FDB];
	_ =	sdelay $0x1  }
0x9a: {  	s5 =	simm.s32 $_scs_section_size  }
0x9b: {  	s6 =	simm.s32 $_size__tile_overlayer_lowered;
	s7 =	simm.s32 $_tile_overlayer_lowered  }
0x9c: {  	s22 =	simm.s32 $0x1BFF;
	s21 =	sshll.u32 s7, $0x1;
	s4 =	sadd.s32 s5, s19  }
0x9d: {  	s8 =	simm.s32 $0x0;
	s20 =	sshll.u32 s6, $0x1;
	s6 =	sadd.s32 s21, s4  }
0x9e: {  	[timem:s8], [sflag:s22] =	dma.local [hbm:s6], s20  }
0x9f: {  	_ =	swait.ge [sflag:s22], s20  }
0xa0: {  	s5 =	ssub.s32 $0x0, s20;
	[sflag:s22] =	ssyncset.done $0x0  }
0xa1: {  	[sflag:s22] =	ssyncadd.s32 s5;
	_ =	sdelay $0x1  }
0xa2: {  	s23 =	simm.s32 $0x1B8B  }
0xa3: {  	_ =	swait.ge [sflag:s23], $0x1  }
0xa4: {  	[sflag:s23] =	ssyncset.done $0x0  }
0xa5: {  	s25 =	simm.s32 $0x1B8E;
	s24 =	sld [smem:$0x3FFE];
	[sflag:s23] =	ssyncadd.s32 $0xFFFFFFFF  }
0xa6: {  	s26 =	simm.s32 $execute0_lowered;
	[smem:$0x3FD2] =	sst s25  }
0xa7: {  	s6 =	sshll.u32 s26, $0x1;
	_ =	strace $0x80000046;
	[dreg:$0x1] =	wrdreg $0xFFFFFFFF  }
0xa8: {  	s28 =	simm.s32 $_size_execute0_lowered;
	s4 =	sadd.s32 s4, s6;
	[dreg:$0x0] =	wrdreg $0x0  }
0xa9: {  	s6 =	sshll.u32 s28, $0x1;
	[dreg:$0x2] =	wrdreg s4  }
0xaa: {  	[dreg:$0x3] =	wrdreg s6  }
0xab: {  	[dreg:$0x4] =	wrdreg $0xC0  }
0xac: {  	_ =	task [dreg:s8], $0x5FFFF  }
0xad: {  	[dreg:$0x1] =	wrdreg $0xFFFFFFFF  }
0xae: {  	[dreg:$0x0] =	wrdreg $0x60  }
0xaf: {  	[dreg:$0x2] =	wrdreg s18  }
0xb0: {  	[dreg:$0x3] =	wrdreg s2  }
0xb1: {  	[dreg:$0x4] =	wrdreg s24  }
0xb2: {  	[dreg:$0x5] =	wrdreg $0x9  }
0xb3: {  	_ =	task.clear_ibuf [dreg:s8], $0x6FFFF;
	_ =	strace $0x90000046  }
0xb4: {  	s29 =	simm.s32 $0x9;
	_ =	strace $0x80000048  }
0xb5: {  	_ =	swait.ge [sflag:s29], $0x1  }
0xb6: {  	[sflag:s29] =	ssyncadd.s32 $0xFFFFFFFF  }
0xb7: {  	_ =	strace $0x90000048  }
0xb8: {  	_ =	sfence  }
0xb9: {  	s30 =	sld [smem:$0x0];
	_ =	sdelay $0x2  }
0xba: {  	s31 =	sshll.u32 s1, $0xD;
	s1 =	sshrl.u32 s1, $0x2  }
0xbb: {  	s3 =	sand.u32 $0x4000, s31;
	s1 =	sadd.s32 s1, s30  }
0xbc: {  	s0 =	sor.u32 s3, s0;
	s1 =	sshll.u32 s1, $0x11  }
0xbd: {  	s0 =	sor.u32 s1, s0  }
0xbe: {  	s0 =	sadd.s32 $0x8F2B, s0  }
0xbf: {  	[sflag:s0] =	ssyncadd.remote.s32 $0x1  }
0xc0: {  	_ =	sfence.sel $0xFFFF  }
0xc1: {  	[dreg:$0x0] =	wrdreg $0xFFFFFFFF;
	(pc) =	sbr.abs _section_cstart, $3  }
0xc2: {  	[dreg:$0x1] =	wrdreg $0xFFFFFFFF  }
0xc3: {  	_ =	task.clear_ibuf [dreg:s8], $0x2FFFF;
	_ =	strace $0x9FFFFFFF  }
0xc4: {  	(tm) =	ssettm $0x7FFFFFFF  }
0xc5: {  	_ =	shalt  }
tec
execute0_lowered:
.L_overlay_start_1:
0x0: {  	(tag) =	ssettag $0x1  }
0x1: {  	s1 =	rddreg [dreg:$0x0]  }
0x2: {  	s3 =	rddreg [dreg:$0x1]  }
0x3: {  	s0 =	rddreg [dreg:$0x2];
	s2 =	srdreg.scid  }
0x4: {  	s5 =	stileid.u32;
	s4 =	simm.s32 $0x0;
	s12 =	simm.s32 $0x80  }
0x5: {  	s13 =	simm.s32 $0x400;
	s16 =	simm.s32 $0x300;
	s17 =	simm.s32 $0x1  }
0x6: {  	s18 =	simm.s32 $0xC8;
	s19 =	simm.s32 $0x2;
	s21 =	simm.s32 $0x3  }
0x7: {  	s23 =	simm.s32 $0x5;
	s24 =	simm.s32 $0x4;
	s25 =	simm.s32 $0x13000  }
0x8: {  	s26 =	simm.s32 $0x6;
	s28 =	simm.s32 $0x7;
	s29 =	simm.s32 $0x8  }
0x9: {  	s31 =	simm.s32 $0x9;
	s2 =	sand.u32 $0x1, s2;
	s5 =	sshll.u32 s5, $0x8  }
0xa: {  	[smem:$0x7FF] =	sst s4;
	s6 =	sshll.u32 s2, $0x7;
	s2 =	ssub.s32 $0x2, s2  }
0xb: {  	_ =	strace $0x80000047;
	s5 =	sor.u32 s6, s5;
	s8 =	sshrl.u32 s2, $0x1  }
0xc: {  	s6 =	sshll.u32 s5, $0x5;
	s7 =	sshll.u32 s5, $0x4;
	s2 =	ssub.s32 s2, s8  }
0xd: {  	s6 =	sadd.s32 s1, s6;
	s0 =	sadd.s32 s7, s0;
	s11 =	smax.u32 s2, $0x1  }
0xe: {  	s30 =	sadd.s32 $0x10, s6;
	s8 =	sadd.s32 $0x20, s6;
	s9 =	sadd.s32 $0x30, s6  }
0xf: {  	s10 =	sadd.s32 $0xA00, s0;
	s0 =	simm.s32 $0x0;
	[dreg:$0x4] =	wrdreg s30  }
.LBB2_1:
0x10: {  	[tilespmem:s4], [sflag:$0x1] =	stream.strided.gather [hbm4b:s6+s12], $0x100, s13, s12, $0x38;
	[tilespmem:$0x1D400] =	vst v63  }
0x11: {  	s2 =	rddreg [dreg:$0x4];
	s7 =	simm.s32 $0x100  }
0x12: {  	[tilespmem:s7], [sflag:$0x2] =	stream.strided.gather [hbm4b:s2+s12], $0x100, s13, s12, $0x38;
	[tilespmem:$0x1D400] =	vst v63  }
0x13: {  	s22 =	simm.s32 $0x200  }
0x14: {  	[tilespmem:s22], [sflag:$0x3] =	stream.strided.gather [hbm4b:s8+s12], $0x100, s13, s12, $0x38;
	[tilespmem:$0x1D400] =	vst v63  }
0x15: {  	_ = 	snop  }
0x16: {  	[tilespmem:s16], [sflag:$0x4] =	stream.strided.gather [hbm4b:s9+s12], $0x100, s13, s12, $0x38;
	[tilespmem:$0x1D400] =	vst v63  }
0x17: {  	_ =	swait.ge [sflag:s17], $0x100  }
0x18: {  	[sflag:s17] =	ssyncset.done $0x0  }
0x19: {  	[sflag:s17] =	ssyncadd.s32 $0xFFFFFF00  }
0x1a: {  	[tilespmem:s13], [sflag:$0x5] =	stream.indirect.gather [hbm4b:s3+s18], $0x80, s4, s18, $0xb8;
	[tilespmem:$0x1D400] =	vst v63  }
0x1b: {  	_ =	swait.ge [sflag:s19], $0x100  }
0x1c: {  	[sflag:s19] =	ssyncset.done $0x0  }
0x1d: {  	s14 =	simm.s32 $0x6800;
	[sflag:s19] =	ssyncadd.s32 $0xFFFFFF00  }
0x1e: {  	[tilespmem:s14], [sflag:$0x6] =	stream.indirect.gather [hbm4b:s3+s18], $0x80, s7, s18, $0xb8;
	[tilespmem:$0x1D400] =	vst v63  }
0x1f: {  	_ =	swait.ge [sflag:s21], $0x100  }
0x20: {  	[sflag:s21] =	ssyncset.done $0x0  }
0x21: {  	s30 =	simm.s32 $0xCC00;
	s2 =	simm.s32 $0x0;
	[sflag:s21] =	ssyncadd.s32 $0xFFFFFF00  }
0x22: {  	[tilespmem:s30], [sflag:$0x7] =	stream.indirect.gather [hbm4b:s3+s18], $0x80, s22, s18, $0xb8;
	[tilespmem:$0x1D400] =	vst v63  }
.LBB2_2:
0x23: {  	s22 =	sshll.u32 s2, $0x2;
	p0 =	seq.s32 s2, $0x1F  }
0x24: {  	_ =	swait.ge [sflag:s23], $0x6400;
	s14 =	sadd.s32 @!p0 $0x4, s22  }
0x25: {  	[sflag:s23] =	ssyncset.done $0x0;
	s20 =	sadd.s32 @!p0 s5, s14;
	s14 =	sshll.u32 @!p0 s14, $0x4  }
0x26: {  	s30 =	simm.s32 @!p0 $0x400;
	s20 =	sshll.u32 @!p0 s20, $0x5;
	s14 =	sand.u32 @!p0 $0x40, s14  }
0x27: {  	s15 =	simm.s32 @!p0 $0x0;
	s20 =	sand.u32 @!p0 $0x3FF00, s20;
	s14 =	sadd.s32 @!p0 s1, s14  }
0x28: {  	[sflag:s23] =	ssyncadd.s32 $0xFFFF9C00;
	s14 =	sadd.s32 @!p0 s20, s14;
	s20 =	simm.s32 @!p0 $0x80  }
0x29: {  	[tilespmem:s15], [sflag:$0x1] =	stream.strided.gather @!p0 [hbm4b:s14+s20], $0x100, s30, s20, $0x38;
	[tilespmem:$0x1D400] =	vst v63  }
0x2a: {  	_ =	swait.ge [sflag:s24], $0x100  }
0x2b: {  	[sflag:s24] =	ssyncset.done $0x0  }
0x2c: {  	s20 =	simm.s32 $0x0;
	[sflag:s24] =	ssyncadd.s32 $0xFFFFFF00  }
0x2d: {  	[tilespmem:s25], [sflag:$0x8] =	stream.indirect.gather [hbm4b:s3+s18], $0x80, s16, s18, $0xb8;
	[tilespmem:$0x1D400] =	vst v63  }
0x2e: {  	v4 =	vld [tilespmem:s20+$0x480]  }
0x2f: {  	v5 =	vld [tilespmem:s20+$0x490]  }
0x30: {  	v2 =	vld [tilespmem:s20+$0x4A0]  }
0x31: {  	v3 =	vld [tilespmem:s20+$0x4B0]  }
0x32: {  	v0 =	vld [tilespmem:s20+$0x4C0]  }
0x33: {  	v1 =	vld [tilespmem:s20+$0x4D0]  }
0x34: {  	v19 =	vld [tilespmem:s20+$0x400]  }
0x35: {  	v20 =	vld [tilespmem:s20+$0x410]  }
0x36: {  	v17 =	vld [tilespmem:s20+$0x420]  }
0x37: {  	v18 =	vld [tilespmem:s20+$0x430]  }
0x38: {  	v10 =	vimm.f32 $0.0e+00;
	v11 =	vimm.f32 $0.0e+00;
	v16 =	vld [tilespmem:s20+$0x440]  }
0x39: {  	v13 =	vimm.f32 $0.0e+00;
	v12 =	vimm.f32 $0.0e+00;
	v9 =	vimm.f32 $0.0e+00;
	v14 =	vld [tilespmem:s20+$0x450]  }
0x3a: {  	v8 =	vimm.f32 $0.0e+00;
	v7 =	vimm.f32 $0.0e+00;
	v6 =	vimm.f32 $0.0e+00;
	s30 =	simm.s32 $0x400;
	v15 =	vld [tilespmem:s20+$0x460]  }
.LBB2_3:
0x3b: {  	p1 =	sne.s32 s30, $0x18C00;
	v10 =	vadd.f32 v19, v10;
	v11 =	vadd.f32 v20, v11;
	v19 =	vld [tilespmem:s20+$0x470]  }
0x3c: {  	v13 =	vadd.f32 v17, v13;
	v12 =	vadd.f32 v18, v12;
	v17 =	vld [tilespmem:s20+$0x4E0]  }
0x3d: {  	v10 =	vadd.f32 v4, v10;
	v11 =	vadd.f32 v5, v11;
	v18 =	vld [tilespmem:s20+$0x4F0];
	s20 =	sshra.s32 s30, $0x2  }
0x3e: {  	v13 =	vadd.f32 v2, v13;
	v4 =	vld [tilespmem:s20+$0x480];
	v12 =	vadd.f32 v3, v12  }
0x3f: {  	v9 =	vadd.f32 v16, v9;
	v8 =	vadd.f32 v14, v8;
	v5 =	vld [tilespmem:s20+$0x490]  }
0x40: {  	v7 =	vadd.f32 v15, v7;
	v2 =	vld [tilespmem:s20+$0x4A0];
	v6 =	vadd.f32 v19, v6  }
0x41: {  	v9 =	vadd.f32 v0, v9;
	v8 =	vadd.f32 v1, v8;
	v3 =	vld [tilespmem:s20+$0x4B0]  }
0x42: {  	v7 =	vadd.f32 v17, v7;
	v0 =	vld [tilespmem:s20+$0x4C0];
	v6 =	vadd.f32 v18, v6  }
0x43: {  	v1 =	vld [tilespmem:s20+$0x4D0]  }
0x44: {  	v19 =	vld [tilespmem:s20+$0x400]  }
0x45: {  	v20 =	vld [tilespmem:s20+$0x410]  }
.Ltmp0:
0x46: {  	v17 =	vld [tilespmem:s20+$0x420];
	(pc) =	sbr.rel @p1 .LBB2_3-.Ltmp0, $4  }
0x47: {  	v18 =	vld [tilespmem:s20+$0x430]  }
0x48: {  	v16 =	vld [tilespmem:s20+$0x440]  }
0x49: {  	v14 =	vld [tilespmem:s20+$0x450]  }
0x4a: {  	s30 =	sadd.s32 $0x400, s30;
	v15 =	vld [tilespmem:s20+$0x460]  }
0x4b: {  	v10 =	vadd.f32 v19, v10  }
0x4c: {  	v11 =	vadd.f32 v20, v11  }
0x4d: {  	v19 =	vld [tilespmem:s20+$0x470];
	v13 =	vadd.f32 v17, v13;
	v4 =	vadd.f32 v4, v10  }
0x4e: {  	v10 =	vadd.f32 v18, v12;
	v12 =	vld [tilespmem:s20+$0x4E0];
	v5 =	vadd.f32 v5, v11  }
0x4f: {  	s14 =	sshll.u32 s2, $0xB;
	v11 =	vld [tilespmem:s20+$0x4F0];
	v2 =	vadd.f32 v2, v13;
	v9 =	vadd.f32 v16, v9;
	v4 =	vmul.f32 $4.999999890e-03, v4  }
0x50: {  	s20 =	sshra.s32 s14, $0x2;
	v8 =	vadd.f32 v14, v8;
	v3 =	vadd.f32 v3, v10;
	v5 =	vmul.f32 $4.999999890e-03, v5  }
0x51: {  	v7 =	vadd.f32 v15, v7;
	v0 =	vadd.f32 v0, v9;
	v2 =	vmul.f32 $4.999999890e-03, v2;
	[tilespmem:s20+$0x19400] =	vst v4  }
0x52: {  	v1 =	vadd.f32 v1, v8;
	v4 =	vadd.f32 v19, v6;
	[tilespmem:s20+$0x19410] =	vst v5;
	v3 =	vmul.f32 $4.999999890e-03, v3  }
0x53: {  	[tilespmem:s20+$0x19420] =	vst v2;
	v0 =	vmul.f32 $4.999999890e-03, v0;
	v5 =	vadd.f32 v12, v7  }
0x54: {  	v1 =	vmul.f32 $4.999999890e-03, v1;
	v2 =	vadd.f32 v11, v4;
	[tilespmem:s20+$0x19430] =	vst v3  }
0x55: {  	[tilespmem:s20+$0x19440] =	vst v0;
	v0 =	vmul.f32 $4.999999890e-03, v5  }
0x56: {  	[tilespmem:s20+$0x19450] =	vst v1;
	v1 =	vmul.f32 $4.999999890e-03, v2  }
0x57: {  	s30 =	simm.s32 @!p0 $0x400;
	s14 =	sadd.s32 @!p0 $0x5, s22;
	[tilespmem:s20+$0x19460] =	vst v0  }
0x58: {  	s7 =	simm.s32 @!p0 $0x100;
	s15 =	sadd.s32 @!p0 s5, s14;
	s14 =	sshll.u32 @!p0 s14, $0x4;
	[tilespmem:s20+$0x19470] =	vst v1  }
0x59: {  	s15 =	sshll.u32 @!p0 s15, $0x5;
	s14 =	sand.u32 @!p0 $0x50, s14;
	_ =	swait.ge [sflag:s26], $0x6400  }
0x5a: {  	s15 =	sand.u32 @!p0 $0x3FF00, s15;
	s14 =	sadd.s32 @!p0 s1, s14;
	[sflag:s26] =	ssyncset.done $0x0  }
0x5b: {  	s14 =	sadd.s32 @!p0 s15, s14;
	s15 =	simm.s32 @!p0 $0x80;
	[sflag:s26] =	ssyncadd.s32 $0xFFFF9C00  }
0x5c: {  	[tilespmem:s7], [sflag:$0x2] =	stream.strided.gather @!p0 [hbm4b:s14+s15], $0x100, s30, s15, $0x38;
	[tilespmem:$0x1D400] =	vst v63  }
0x5d: {  	s7 =	simm.s32 @!p0 $0x1  }
0x5e: {  	_ =	swait.ge @!p0 [sflag:s7], $0x100  }
0x5f: {  	[sflag:s7] =	ssyncset.done @!p0 $0x0  }
0x60: {  	s14 =	simm.s32 @!p0 $0x0;
	[sflag:s7] =	ssyncadd.s32 @!p0 $0xFFFFFF00;
	s7 =	simm.s32 @!p0 $0xC8  }
0x61: {  	[tilespmem:s30], [sflag:$0x5] =	stream.indirect.gather @!p0 [hbm4b:s3+s7], $0x80, s14, s7, $0xb8;
	[tilespmem:$0x1D400] =	vst v63  }
0x62: {  	s30 =	simm.s32 $0x0  }
0x63: {  	v3 =	vld [tilespmem:s30+$0x6880]  }
0x64: {  	v5 =	vld [tilespmem:s30+$0x6890]  }
0x65: {  	v2 =	vld [tilespmem:s30+$0x68A0]  }
0x66: {  	v4 =	vld [tilespmem:s30+$0x68B0]  }
0x67: {  	v0 =	vld [tilespmem:s30+$0x68C0]  }
0x68: {  	v1 =	vld [tilespmem:s30+$0x68D0]  }
0x69: {  	v19 =	vld [tilespmem:s30+$0x6800]  }
0x6a: {  	v20 =	vld [tilespmem:s30+$0x6810]  }
0x6b: {  	v17 =	vld [tilespmem:s30+$0x6820]  }
0x6c: {  	v18 =	vld [tilespmem:s30+$0x6830]  }
0x6d: {  	v13 =	vimm.f32 $0.0e+00;
	v10 =	vimm.f32 $0.0e+00;
	v14 =	vld [tilespmem:s30+$0x6840]  }
0x6e: {  	v9 =	vimm.f32 $0.0e+00;
	v8 =	vimm.f32 $0.0e+00;
	v6 =	vimm.f32 $0.0e+00;
	v15 =	vld [tilespmem:s30+$0x6850]  }
0x6f: {  	v12 =	vimm.f32 $0.0e+00;
	v7 =	vimm.f32 $0.0e+00;
	v11 =	vimm.f32 $0.0e+00;
	s14 =	simm.s32 $0x400;
	v16 =	vld [tilespmem:s30+$0x6860]  }
.LBB2_5:
0x70: {  	p1 =	sne.s32 s14, $0x18C00;
	v10 =	vadd.f32 v19, v10;
	v11 =	vadd.f32 v20, v11;
	v19 =	vld [tilespmem:s30+$0x6870]  }
0x71: {  	v13 =	vadd.f32 v17, v13;
	v12 =	vadd.f32 v18, v12;
	v17 =	vld [tilespmem:s30+$0x68E0]  }
0x72: {  	v10 =	vadd.f32 v3, v10;
	v11 =	vadd.f32 v5, v11;
	v18 =	vld [tilespmem:s30+$0x68F0];
	s30 =	sshra.s32 s14, $0x2  }
0x73: {  	v13 =	vadd.f32 v2, v13;
	v3 =	vld [tilespmem:s30+$0x6880];
	v12 =	vadd.f32 v4, v12  }
0x74: {  	v8 =	vadd.f32 v14, v8;
	v9 =	vadd.f32 v15, v9;
	v5 =	vld [tilespmem:s30+$0x6890]  }
0x75: {  	v7 =	vadd.f32 v16, v7;
	v2 =	vld [tilespmem:s30+$0x68A0];
	v6 =	vadd.f32 v19, v6  }
0x76: {  	v8 =	vadd.f32 v0, v8;
	v9 =	vadd.f32 v1, v9;
	v4 =	vld [tilespmem:s30+$0x68B0]  }
0x77: {  	v7 =	vadd.f32 v17, v7;
	v0 =	vld [tilespmem:s30+$0x68C0];
	v6 =	vadd.f32 v18, v6  }
0x78: {  	v1 =	vld [tilespmem:s30+$0x68D0]  }
0x79: {  	v19 =	vld [tilespmem:s30+$0x6800]  }
0x7a: {  	v20 =	vld [tilespmem:s30+$0x6810]  }
.Ltmp1:
0x7b: {  	v17 =	vld [tilespmem:s30+$0x6820];
	(pc) =	sbr.rel @p1 .LBB2_5-.Ltmp1, $4  }
0x7c: {  	v18 =	vld [tilespmem:s30+$0x6830]  }
0x7d: {  	v14 =	vld [tilespmem:s30+$0x6840]  }
0x7e: {  	v15 =	vld [tilespmem:s30+$0x6850]  }
0x7f: {  	s14 =	sadd.s32 $0x400, s14;
	v16 =	vld [tilespmem:s30+$0x6860]  }
0x80: {  	v10 =	vadd.f32 v19, v10  }
0x81: {  	v11 =	vadd.f32 v20, v11  }
0x82: {  	v19 =	vld [tilespmem:s30+$0x6870];
	v13 =	vadd.f32 v17, v13;
	v3 =	vadd.f32 v3, v10  }
0x83: {  	v10 =	vadd.f32 v18, v12;
	v12 =	vld [tilespmem:s30+$0x68E0];
	v5 =	vadd.f32 v5, v11  }
0x84: {  	v11 =	vld [tilespmem:s30+$0x68F0];
	v2 =	vadd.f32 v2, v13;
	v8 =	vadd.f32 v14, v8;
	v3 =	vmul.f32 $4.999999890e-03, v3  }
0x85: {  	v9 =	vadd.f32 v15, v9;
	v4 =	vadd.f32 v4, v10;
	v5 =	vmul.f32 $4.999999890e-03, v5  }
0x86: {  	v7 =	vadd.f32 v16, v7;
	v0 =	vadd.f32 v0, v8;
	v2 =	vmul.f32 $4.999999890e-03, v2;
	[tilespmem:s20+$0x19480] =	vst v3  }
0x87: {  	v1 =	vadd.f32 v1, v9;
	v3 =	vadd.f32 v19, v6;
	[tilespmem:s20+$0x19490] =	vst v5;
	v4 =	vmul.f32 $4.999999890e-03, v4  }
0x88: {  	[tilespmem:s20+$0x194A0] =	vst v2;
	v0 =	vmul.f32 $4.999999890e-03, v0;
	v5 =	vadd.f32 v12, v7  }
0x89: {  	v1 =	vmul.f32 $4.999999890e-03, v1;
	v2 =	vadd.f32 v11, v3;
	[tilespmem:s20+$0x194B0] =	vst v4  }
0x8a: {  	[tilespmem:s20+$0x194C0] =	vst v0;
	v0 =	vmul.f32 $4.999999890e-03, v5  }
0x8b: {  	s7 =	sadd.s32 @!p0 $0x6, s22;
	[tilespmem:s20+$0x194D0] =	vst v1;
	v1 =	vmul.f32 $4.999999890e-03, v2  }
0x8c: {  	s14 =	sadd.s32 @!p0 s5, s7;
	[tilespmem:s20+$0x194E0] =	vst v0  }
0x8d: {  	s15 =	simm.s32 @!p0 $0x400;
	s7 =	sshll.u32 @!p0 s7, $0x4;
	s14 =	sshll.u32 @!p0 s14, $0x5;
	[tilespmem:s20+$0x194F0] =	vst v1  }
0x8e: {  	s7 =	sand.u32 @!p0 $0x60, s7;
	s30 =	simm.s32 @!p0 $0x200;
	_ =	swait.ge [sflag:s28], $0x6400  }
0x8f: {  	s14 =	sand.u32 @!p0 $0x3FF00, s14;
	s7 =	sadd.s32 @!p0 s1, s7;
	[sflag:s28] =	ssyncset.done $0x0  }
0x90: {  	s7 =	sadd.s32 @!p0 s14, s7;
	s14 =	simm.s32 @!p0 $0x80;
	[sflag:s28] =	ssyncadd.s32 $0xFFFF9C00  }
0x91: {  	[tilespmem:s30], [sflag:$0x3] =	stream.strided.gather @!p0 [hbm4b:s7+s14], $0x100, s15, s14, $0x38;
	[tilespmem:$0x1D400] =	vst v63  }
0x92: {  	s7 =	simm.s32 @!p0 $0x2  }
0x93: {  	_ =	swait.ge @!p0 [sflag:s7], $0x100  }
0x94: {  	s14 =	simm.s32 @!p0 $0x100;
	s15 =	simm.s32 @!p0 $0x6800;
	[sflag:s7] =	ssyncset.done @!p0 $0x0  }
0x95: {  	s30 =	simm.s32 $0x0;
	[sflag:s7] =	ssyncadd.s32 @!p0 $0xFFFFFF00;
	s7 =	simm.s32 @!p0 $0xC8  }
0x96: {  	[tilespmem:s15], [sflag:$0x6] =	stream.indirect.gather @!p0 [hbm4b:s3+s7], $0x80, s14, s7, $0xb8;
	[tilespmem:$0x1D400] =	vst v63  }
0x97: {  	v3 =	vld [tilespmem:s30+$0xCC80]  }
0x98: {  	v5 =	vld [tilespmem:s30+$0xCC90]  }
0x99: {  	v2 =	vld [tilespmem:s30+$0xCCA0]  }
0x9a: {  	v4 =	vld [tilespmem:s30+$0xCCB0]  }
0x9b: {  	v0 =	vld [tilespmem:s30+$0xCCC0]  }
0x9c: {  	v1 =	vld [tilespmem:s30+$0xCCD0]  }
0x9d: {  	v19 =	vld [tilespmem:s30+$0xCC00]  }
0x9e: {  	v20 =	vld [tilespmem:s30+$0xCC10]  }
0x9f: {  	v17 =	vld [tilespmem:s30+$0xCC20]  }
0xa0: {  	v18 =	vld [tilespmem:s30+$0xCC30]  }
0xa1: {  	v13 =	vimm.f32 $0.0e+00;
	v10 =	vimm.f32 $0.0e+00;
	v14 =	vld [tilespmem:s30+$0xCC40]  }
0xa2: {  	v8 =	vimm.f32 $0.0e+00;
	v9 =	vimm.f32 $0.0e+00;
	v6 =	vimm.f32 $0.0e+00;
	v15 =	vld [tilespmem:s30+$0xCC50]  }
0xa3: {  	v12 =	vimm.f32 $0.0e+00;
	v7 =	vimm.f32 $0.0e+00;
	v11 =	vimm.f32 $0.0e+00;
	s14 =	simm.s32 $0x400;
	v16 =	vld [tilespmem:s30+$0xCC60]  }
.LBB2_7:
0xa4: {  	p1 =	sne.s32 s14, $0x18C00;
	v10 =	vadd.f32 v19, v10;
	v11 =	vadd.f32 v20, v11;
	v19 =	vld [tilespmem:s30+$0xCC70]  }
0xa5: {  	v13 =	vadd.f32 v17, v13;
	v12 =	vadd.f32 v18, v12;
	v17 =	vld [tilespmem:s30+$0xCCE0]  }
0xa6: {  	v10 =	vadd.f32 v3, v10;
	v11 =	vadd.f32 v5, v11;
	v18 =	vld [tilespmem:s30+$0xCCF0];
	s30 =	sshra.s32 s14, $0x2  }
0xa7: {  	v13 =	vadd.f32 v2, v13;
	v3 =	vld [tilespmem:s30+$0xCC80];
	v12 =	vadd.f32 v4, v12  }
0xa8: {  	v8 =	vadd.f32 v14, v8;
	v9 =	vadd.f32 v15, v9;
	v5 =	vld [tilespmem:s30+$0xCC90]  }
0xa9: {  	v7 =	vadd.f32 v16, v7;
	v2 =	vld [tilespmem:s30+$0xCCA0];
	v6 =	vadd.f32 v19, v6  }
0xaa: {  	v8 =	vadd.f32 v0, v8;
	v9 =	vadd.f32 v1, v9;
	v4 =	vld [tilespmem:s30+$0xCCB0]  }
0xab: {  	v7 =	vadd.f32 v17, v7;
	v0 =	vld [tilespmem:s30+$0xCCC0];
	v6 =	vadd.f32 v18, v6  }
0xac: {  	v1 =	vld [tilespmem:s30+$0xCCD0]  }
0xad: {  	v19 =	vld [tilespmem:s30+$0xCC00]  }
0xae: {  	v20 =	vld [tilespmem:s30+$0xCC10]  }
.Ltmp2:
0xaf: {  	v17 =	vld [tilespmem:s30+$0xCC20];
	(pc) =	sbr.rel @p1 .LBB2_7-.Ltmp2, $4  }
0xb0: {  	v18 =	vld [tilespmem:s30+$0xCC30]  }
0xb1: {  	v14 =	vld [tilespmem:s30+$0xCC40]  }
0xb2: {  	v15 =	vld [tilespmem:s30+$0xCC50]  }
0xb3: {  	s14 =	sadd.s32 $0x400, s14;
	v16 =	vld [tilespmem:s30+$0xCC60]  }
0xb4: {  	v10 =	vadd.f32 v19, v10  }
0xb5: {  	v11 =	vadd.f32 v20, v11  }
0xb6: {  	v19 =	vld [tilespmem:s30+$0xCC70];
	v13 =	vadd.f32 v17, v13;
	v3 =	vadd.f32 v3, v10  }
0xb7: {  	v10 =	vadd.f32 v18, v12;
	v12 =	vld [tilespmem:s30+$0xCCE0];
	v5 =	vadd.f32 v5, v11  }
0xb8: {  	v11 =	vld [tilespmem:s30+$0xCCF0];
	v2 =	vadd.f32 v2, v13;
	v8 =	vadd.f32 v14, v8;
	v3 =	vmul.f32 $4.999999890e-03, v3  }
0xb9: {  	v9 =	vadd.f32 v15, v9;
	v4 =	vadd.f32 v4, v10;
	v5 =	vmul.f32 $4.999999890e-03, v5  }
0xba: {  	v7 =	vadd.f32 v16, v7;
	v0 =	vadd.f32 v0, v8;
	v2 =	vmul.f32 $4.999999890e-03, v2;
	[tilespmem:s20+$0x19500] =	vst v3  }
0xbb: {  	v1 =	vadd.f32 v1, v9;
	v3 =	vadd.f32 v19, v6;
	[tilespmem:s20+$0x19510] =	vst v5;
	v4 =	vmul.f32 $4.999999890e-03, v4  }
0xbc: {  	[tilespmem:s20+$0x19520] =	vst v2;
	v0 =	vmul.f32 $4.999999890e-03, v0;
	v5 =	vadd.f32 v12, v7  }
0xbd: {  	v1 =	vmul.f32 $4.999999890e-03, v1;
	v2 =	vadd.f32 v11, v3;
	[tilespmem:s20+$0x19530] =	vst v4  }
0xbe: {  	[tilespmem:s20+$0x19540] =	vst v0;
	v0 =	vmul.f32 $4.999999890e-03, v5  }
0xbf: {  	[tilespmem:s20+$0x19550] =	vst v1;
	v1 =	vmul.f32 $4.999999890e-03, v2  }
0xc0: {  	s7 =	sadd.s32 @!p0 $0x7, s22;
	s15 =	simm.s32 @!p0 $0x400;
	[tilespmem:s20+$0x19560] =	vst v0  }
0xc1: {  	s22 =	simm.s32 @!p0 $0x300;
	s14 =	sadd.s32 @!p0 s5, s7;
	s7 =	sshll.u32 @!p0 s7, $0x4;
	[tilespmem:s20+$0x19570] =	vst v1  }
0xc2: {  	s14 =	sshll.u32 @!p0 s14, $0x5;
	s7 =	sand.u32 @!p0 $0x70, s7;
	_ =	swait.ge [sflag:s29], $0x6400  }
0xc3: {  	s14 =	sand.u32 @!p0 $0x3FF00, s14;
	s7 =	sadd.s32 @!p0 s1, s7;
	[sflag:s29] =	ssyncset.done $0x0  }
0xc4: {  	s7 =	sadd.s32 @!p0 s14, s7;
	s14 =	simm.s32 @!p0 $0x80;
	[sflag:s29] =	ssyncadd.s32 $0xFFFF9C00  }
0xc5: {  	[tilespmem:s22], [sflag:$0x4] =	stream.strided.gather @!p0 [hbm4b:s7+s14], $0x100, s15, s14, $0x38;
	[tilespmem:$0x1D400] =	vst v63  }
0xc6: {  	s7 =	simm.s32 @!p0 $0x3  }
0xc7: {  	_ =	swait.ge @!p0 [sflag:s7], $0x100  }
0xc8: {  	s14 =	simm.s32 @!p0 $0x200;
	s15 =	simm.s32 @!p0 $0xCC00;
	[sflag:s7] =	ssyncset.done @!p0 $0x0  }
0xc9: {  	s22 =	simm.s32 $0x0;
	[sflag:s7] =	ssyncadd.s32 @!p0 $0xFFFFFF00;
	s7 =	simm.s32 @!p0 $0xC8  }
0xca: {  	[tilespmem:s15], [sflag:$0x7] =	stream.indirect.gather @!p0 [hbm4b:s3+s7], $0x80, s14, s7, $0xb8;
	[tilespmem:$0x1D400] =	vst v63  }
0xcb: {  	v3 =	vld [tilespmem:s22+$0x13080]  }
0xcc: {  	v5 =	vld [tilespmem:s22+$0x13090]  }
0xcd: {  	v2 =	vld [tilespmem:s22+$0x130A0]  }
0xce: {  	v4 =	vld [tilespmem:s22+$0x130B0]  }
0xcf: {  	v0 =	vld [tilespmem:s22+$0x130C0]  }
0xd0: {  	v1 =	vld [tilespmem:s22+$0x130D0]  }
0xd1: {  	v19 =	vld [tilespmem:s22+$0x13000]  }
0xd2: {  	v20 =	vld [tilespmem:s22+$0x13010]  }
0xd3: {  	v17 =	vld [tilespmem:s22+$0x13020]  }
0xd4: {  	v18 =	vld [tilespmem:s22+$0x13030]  }
0xd5: {  	v13 =	vimm.f32 $0.0e+00;
	v10 =	vimm.f32 $0.0e+00;
	v14 =	vld [tilespmem:s22+$0x13040]  }
0xd6: {  	v8 =	vimm.f32 $0.0e+00;
	v9 =	vimm.f32 $0.0e+00;
	v6 =	vimm.f32 $0.0e+00;
	v15 =	vld [tilespmem:s22+$0x13050]  }
0xd7: {  	v12 =	vimm.f32 $0.0e+00;
	v7 =	vimm.f32 $0.0e+00;
	v11 =	vimm.f32 $0.0e+00;
	s14 =	simm.s32 $0x400;
	v16 =	vld [tilespmem:s22+$0x13060]  }
.LBB2_9:
0xd8: {  	p0 =	sne.s32 s14, $0x18C00;
	v10 =	vadd.f32 v19, v10;
	v11 =	vadd.f32 v20, v11;
	v19 =	vld [tilespmem:s22+$0x13070]  }
0xd9: {  	v13 =	vadd.f32 v17, v13;
	v12 =	vadd.f32 v18, v12;
	v17 =	vld [tilespmem:s22+$0x130E0]  }
0xda: {  	v10 =	vadd.f32 v3, v10;
	v11 =	vadd.f32 v5, v11;
	v18 =	vld [tilespmem:s22+$0x130F0];
	s22 =	sshra.s32 s14, $0x2  }
0xdb: {  	v13 =	vadd.f32 v2, v13;
	v3 =	vld [tilespmem:s22+$0x13080];
	v12 =	vadd.f32 v4, v12  }
0xdc: {  	v8 =	vadd.f32 v14, v8;
	v9 =	vadd.f32 v15, v9;
	v5 =	vld [tilespmem:s22+$0x13090]  }
0xdd: {  	v7 =	vadd.f32 v16, v7;
	v2 =	vld [tilespmem:s22+$0x130A0];
	v6 =	vadd.f32 v19, v6  }
0xde: {  	v8 =	vadd.f32 v0, v8;
	v9 =	vadd.f32 v1, v9;
	v4 =	vld [tilespmem:s22+$0x130B0]  }
0xdf: {  	v7 =	vadd.f32 v17, v7;
	v0 =	vld [tilespmem:s22+$0x130C0];
	v6 =	vadd.f32 v18, v6  }
0xe0: {  	v1 =	vld [tilespmem:s22+$0x130D0]  }
0xe1: {  	v19 =	vld [tilespmem:s22+$0x13000]  }
0xe2: {  	v20 =	vld [tilespmem:s22+$0x13010]  }
.Ltmp3:
0xe3: {  	v17 =	vld [tilespmem:s22+$0x13020];
	(pc) =	sbr.rel @p0 .LBB2_9-.Ltmp3, $4  }
0xe4: {  	v18 =	vld [tilespmem:s22+$0x13030]  }
0xe5: {  	v14 =	vld [tilespmem:s22+$0x13040]  }
0xe6: {  	v15 =	vld [tilespmem:s22+$0x13050]  }
0xe7: {  	s14 =	sadd.s32 $0x400, s14;
	v16 =	vld [tilespmem:s22+$0x13060]  }
0xe8: {  	v10 =	vadd.f32 v19, v10  }
0xe9: {  	v11 =	vadd.f32 v20, v11  }
0xea: {  	v55 =	vld [tilespmem:s22+$0x13070];
	v13 =	vadd.f32 v17, v13;
	v3 =	vadd.f32 v3, v10  }
0xeb: {  	v57 =	vld [tilespmem:s22+$0x130E0];
	v56 =	vadd.f32 v18, v12;
	v5 =	vadd.f32 v5, v11  }
0xec: {  	v58 =	vld [tilespmem:s22+$0x130F0];
	v2 =	vadd.f32 v2, v13;
	v8 =	vadd.f32 v14, v8;
	v3 =	vmul.f32 $4.999999890e-03, v3  }
0xed: {  	v4 =	vadd.f32 v4, v56;
	v9 =	vadd.f32 v15, v9;
	v5 =	vmul.f32 $4.999999890e-03, v5  }
0xee: {  	v7 =	vadd.f32 v16, v7;
	v0 =	vadd.f32 v0, v8;
	v2 =	vmul.f32 $4.999999890e-03, v2;
	[tilespmem:s20+$0x19580] =	vst v3  }
0xef: {  	s2 =	sadd.s32 $0x1, s2;
	v59 =	vadd.f32 v55, v6;
	v1 =	vadd.f32 v1, v9;
	v4 =	vmul.f32 $4.999999890e-03, v4;
	[tilespmem:s20+$0x19590] =	vst v5  }
0xf0: {  	p0 =	sne.s32 s2, $0x20;
	v60 =	vadd.f32 v57, v7;
	[tilespmem:s20+$0x195A0] =	vst v2;
	v0 =	vmul.f32 $4.999999890e-03, v0  }
.Ltmp4:
0xf1: {  	v61 =	vadd.f32 v58, v59;
	[tilespmem:s20+$0x195B0] =	vst v4;
	v1 =	vmul.f32 $4.999999890e-03, v1;
	(pc) =	sbr.rel @p0 .LBB2_2-.Ltmp4, $4  }
0xf2: {  	[tilespmem:s20+$0x195C0] =	vst v0;
	v62 =	vmul.f32 $4.999999890e-03, v60  }
0xf3: {  	[tilespmem:s20+$0x195D0] =	vst v1;
	v63 =	vmul.f32 $4.999999890e-03, v61  }
0xf4: {  	[tilespmem:s20+$0x195E0] =	vst v62  }
0xf5: {  	[tilespmem:s20+$0x195F0] =	vst v63  }
0xf6: {  	s0 =	sadd.s32 $0x1, s0  }
0xf7: {  	p0 =	sne.s32 s0, s11  }
.Ltmp5:
0xf8: {  	s2 =	simm.s32 $0x19400;
	(pc) =	sbr.rel @p0 .LBB2_1-.Ltmp5, $4  }
0xf9: {  	[hbm4b:s10+s4] =	stream.linear.scatter [tilespmem:s2], [sflag:$0x9], $0x4000, $0x38;
	[tilespmem:$0x1D400] =	vst v63  }
0xfa: {  	_ =	swait.ge [sflag:s31], $0x4000  }
0xfb: {  	[sflag:s31] =	ssyncset.done $0x0  }
0xfc: {  	[sflag:s31] =	ssyncadd.s32 $0xFFFFC000  }
0xfd: {  	_ =	sfence.sel $0x180000  }
0xfe: {  	[bflag:$0x0] =	sbarrier.arrive $0xFFFF  }
0xff: {  	_ =	strace $0x90000047  }
0x100: {  	s0 =	stileid.u32;
	[bflag:$0x2] =	sbarrier.arrive $0xFFFF  }
0x101: {  	p0 =	sne.s32 s0, $0x0;
	s0 =	rddreg [dreg:$0x3]  }
0x102: {  	s0 =	sadd.s32 @!p0 $0x100000, s0  }
0x103: {  	[sflag:s0] =	ssyncadd.tile.s32 @!p0 $0x1;
	_ =	shalt  }
.Lfunc_end2:
_tile_overlayer_lowered:
.L_overlay_start_2:
0x104: {  	(tag) =	ssettag $0x2  }
0x105: {  	s0 =	rddreg [dreg:$0x0];
	s2 =	stileid.u32  }
0x106: {  	s1 =	rddreg [dreg:$0x1];
	p0 =	sne.s32 s2, $0x0  }
0x107: {  	s3 =	rddreg [dreg:$0x2];
	[bflag:$0x3] =	sbarrier.arrive $0xFFFF;
	s2 =	simm.s32 @!p0 $0x1C09  }
0x108: {  	[timem:s3], [sflag:s2] =	dma.local @!p0 [hbm:s0], s1  }
0x109: {  	s0 =	simm.s32 @!p0 $0x9  }
0x10a: {  	_ =	swait.ge @!p0 [sflag:s0], s1  }
0x10b: {  	s1 =	ssub.s32 @!p0 $0x0, s1;
	[sflag:s0] =	ssyncset.done @!p0 $0x0  }
0x10c: {  	[sflag:s0] =	ssyncadd.s32 @!p0 s1  }
0x10d: {  	[bflag:$0x3] =	sbarrier.arrive $0xFFFF  }
0x10e: {  	_ =	shalt  }

</sc_bundles>
